<compile_context>
chip_gen: v7x
topology: tpu7x:2x2x1
jax: 0.10.2.dev20260603
libtpu: 0.0.44.dev20260713+nightly
codegen_flags: <defaults>
</compile_context>

<pallas_src>
import functools

import jax
import jax.numpy as jnp
from jax.experimental import pallas as pl
from jax.experimental.pallas import tpu as pltpu
from jax.experimental.pallas import tpu_sc as plsc

B, S, D = 2, 2048, 768
E, C, F = 64, 64, 3072
BS = B * S
BC = B * C
EBC = E * BC
NROWS = EBC + BS
SQ2PI = 0.7978845608028654

_HI = jax.lax.Precision.HIGHEST


def _fused_body(x_ref, wr_ref, br_ref, w1_ref, b1_ref, w2_ref, b2_ref,
                y_ref, cmb_ref, dsp_v, dsp_s, scs_v, mp_v, xb_s, sem):
    i = pl.program_id(0)

    @pl.when(i == 0)
    def _router():
        logits = jnp.dot(x_ref[:], wr_ref[:],
                         preferred_element_type=jnp.float32) + br_ref[:]
        l3 = logits.reshape(B, S, E)
        m3 = jnp.max(l3, axis=-1, keepdims=True)
        ssum = jnp.sum(jnp.exp(l3 - m3), axis=-1, keepdims=True)
        mp3 = 1.0 / ssum
        ie = jax.lax.broadcasted_iota(jnp.int32, (B, S, E), 2)
        idx3 = jnp.min(jnp.where(l3 == m3, ie, E), axis=-1)
        oh = (ie == idx3[:, :, None]).astype(jnp.float32)
        cum = oh
        k = 1
        while k < S:
            cum = cum + jnp.concatenate(
                [jnp.zeros((B, k, E), jnp.float32), cum[:, :S - k, :]],
                axis=1)
            k *= 2
        posf = jnp.sum(cum * oh, axis=-1) - 1.0
        ic = jax.lax.broadcasted_iota(jnp.int32, (B, S, C), 2).astype(
            jnp.float32)
        poh = (ic == posf[:, :, None]).astype(jnp.float32)
        s1 = jax.lax.broadcasted_iota(jnp.int32, (B, S, E), 1).astype(
            jnp.float32) + 1.0
        dn = (((0,), (0,)), ((), ()))
        dsp_cols, sc_cols = [], []
        for b in range(B):
            stb = jax.lax.dot_general(oh[b] * s1[b], poh[b], dn,
                                      precision=_HI)
            scb = jax.lax.dot_general(oh[b] * mp3[b], poh[b], dn,
                                      precision=_HI)
            t = stb.astype(jnp.int32) - 1
            dsp_cols.append(jnp.maximum(t, 0) + b * S)
            sc_cols.append(scb)
        dsp_v[:] = jnp.concatenate(dsp_cols, axis=1)
        scs_v[:] = jnp.concatenate(sc_cols, axis=1)
        mp_v[:] = mp3.reshape(BS, 1)
        pos_i = posf.astype(jnp.int32)
        within = posf < float(C)
        bidx = jax.lax.broadcasted_iota(jnp.int32, (B, S), 0)
        sidx = jax.lax.broadcasted_iota(jnp.int32, (B, S), 1)
        slot_row = idx3 * BC + bidx * C + jnp.minimum(pos_i, C - 1)
        drop_row = EBC + bidx * S + sidx
        cmb_ref[:] = jnp.where(within, slot_row, drop_row)
        pltpu.make_async_copy(dsp_v, dsp_s, sem).start()
        pltpu.make_async_copy(dsp_v, dsp_s, sem).wait()

    @pl.when(i < E)
    def _expert():
        def gather(r, carry):
            t = dsp_s[i, r]
            xb_s[pl.ds(r, 1), :] = x_ref[pl.ds(t, 1), :]
            return carry

        jax.lax.fori_loop(0, BC, gather, 0, unroll=True)
        h = jnp.dot(xb_s[:], w1_ref[0],
                    preferred_element_type=jnp.float32) + b1_ref[0]
        h = 0.5 * h * (1.0 + jnp.tanh(SQ2PI * (h + 0.044715 * (h * h * h))))
        y = jnp.dot(h, w2_ref[0],
                    preferred_element_type=jnp.float32) + b2_ref[0]
        s = scs_v[pl.ds(i, 1), :].reshape(BC)
        y_ref[pl.ds((i % 4) * BC, BC), :] = y * s[:, None]

    @pl.when(i >= E)
    def _init():
        base = (i - E) * (4 * BC)
        y_ref[:] = x_ref[pl.ds(base, 4 * BC), :] * mp_v[pl.ds(base, 4 * BC), :]


def _fused(x2, Wr, br, W1, b1, W2, b2):
    ee = lambda i: jnp.minimum(i, E - 1)
    return pl.pallas_call(
        _fused_body,
        grid=(E + BS // (4 * BC),),
        in_specs=[
            pl.BlockSpec((BS, D), lambda i: (0, 0)),
            pl.BlockSpec((D, E), lambda i: (0, 0)),
            pl.BlockSpec((1, E), lambda i: (0, 0)),
            pl.BlockSpec((1, D, F), lambda i: (ee(i), 0, 0)),
            pl.BlockSpec((1, 1, F), lambda i: (ee(i), 0, 0)),
            pl.BlockSpec((1, F, D), lambda i: (ee(i), 0, 0)),
            pl.BlockSpec((1, 1, D), lambda i: (ee(i), 0, 0)),
        ],
        out_specs=[
            pl.BlockSpec((4 * BC, D),
                         lambda i: (jnp.where(i < E, i // 4, i - 48), 0)),
            pl.BlockSpec((B, S), lambda i: (0, 0)),
        ],
        out_shape=[
            jax.ShapeDtypeStruct((NROWS, D), jnp.float32),
            jax.ShapeDtypeStruct((B, S), jnp.int32),
        ],
        scratch_shapes=[
            pltpu.VMEM((E, BC), jnp.int32),
            pltpu.SMEM((E, BC), jnp.int32),
            pltpu.VMEM((E, BC), jnp.float32),
            pltpu.VMEM((BS, 1), jnp.float32),
            pltpu.VMEM((BC, D), jnp.float32),
            pltpu.SemaphoreType.DMA,
        ],
        compiler_params=pltpu.CompilerParams(
            dimension_semantics=("arbitrary",),
            vmem_limit_bytes=64 * 1024 * 1024),
    )(x2, Wr, br.reshape(1, E), W1, b1.reshape(E, 1, F), W2,
      b2.reshape(E, 1, D))


def _sc_gather(table, idx, n_out):
    nw = 32
    b_per_w = n_out // nw
    h = b_per_w // 2
    mesh = plsc.VectorSubcoreMesh(core_axis_name="c", subcore_axis_name="s")

    @functools.partial(
        pl.kernel, mesh=mesh,
        out_type=jax.ShapeDtypeStruct((n_out, D), jnp.float32),
        scratch_types=[
            pltpu.VMEM((b_per_w,), jnp.int32),
            pltpu.VMEM((h, D), jnp.float32),
            pltpu.VMEM((h, D), jnp.float32),
            pltpu.SemaphoreType.DMA,
            pltpu.SemaphoreType.DMA,
            pltpu.SemaphoreType.DMA,
            pltpu.SemaphoreType.DMA,
        ],
    )
    def k(table_hbm, idx_hbm, out_hbm, idx_v, rows_a, rows_b,
          sga, sgb, swa, swb):
        wid = jax.lax.axis_index("s") * 2 + jax.lax.axis_index("c")
        base = wid * b_per_w
        pltpu.sync_copy(idx_hbm.at[pl.ds(base, b_per_w)], idx_v)
        ca = pltpu.async_copy(table_hbm.at[idx_v.at[pl.ds(0, h)]], rows_a, sga)
        cb = pltpu.async_copy(table_hbm.at[idx_v.at[pl.ds(h, h)]], rows_b, sgb)
        ca.wait()
        wa = pltpu.async_copy(rows_a, out_hbm.at[pl.ds(base, h)], swa)
        cb.wait()
        wb = pltpu.async_copy(rows_b, out_hbm.at[pl.ds(base + h, h)], swb)
        wa.wait()
        wb.wait()

    return k(table, idx)


def kernel(hidden_states, Wr, br, W1, b1, W2, b2):
    x2 = hidden_states.reshape(BS, D)
    ybig, cmb = _fused(x2, Wr, br, W1, b1, W2, b2)
    out = _sc_gather(ybig, cmb.reshape(BS), BS)
    return out.reshape(B, S, D)

# --- scband reference (transcript-rebuilt; emitter-appended) ---
"""Pipeline reference for scband-gpt2-sparse-mlp-50680614093121 (READ-ONLY COPY).

The authoritative reference and input builder live on the scoring server;
editing this copy changes nothing except your own understanding.
"""

import jax, jax.numpy as jnp
import numpy as np

B, S, D = 2, 2048, 768
E, C, F = 64, 64, 3072

def gelu_new(x):
    return 0.5 * x * (1.0 + jnp.tanh(np.sqrt(2.0 / np.pi) * (x + 0.044715 * jnp.power(x, 3.0))))

def setup_inputs(seed: int = 0):
    key = jax.random.key(seed)
    ks = jax.random.split(key, 8)
    return {
        "hidden_states": jax.random.normal(ks[0], (B, S, D), dtype=jnp.float32),
        "Wr": jax.random.normal(ks[1], (D, E), dtype=jnp.float32) * 0.02,
        "br": jnp.zeros((E,), dtype=jnp.float32),
        "W1": jax.random.normal(ks[2], (E, D, F), dtype=jnp.float32) * 0.02,
        "b1": jnp.zeros((E, F), dtype=jnp.float32),
        "W2": jax.random.normal(ks[3], (E, F, D), dtype=jnp.float32) * 0.02,
        "b2": jnp.zeros((E, D), dtype=jnp.float32),
    }

def reference(hidden_states, Wr, br, W1, b1, W2, b2):
    # SwitchTransformersTop1Router with Conv1D classifier (eval mode: no jitter, no dropout)
    x = hidden_states
    logits = jnp.einsum('bsd,de->bse', x, Wr) + br  # router_logits [B,S,E]
    probs = jax.nn.softmax(logits.astype(jnp.float32), axis=-1)
    expert_idx = jnp.argmax(probs, axis=-1)  # [B,S]
    onehot = jax.nn.one_hot(expert_idx, E, dtype=jnp.int32)  # [B,S,E]
    # token priority within each expert (cumsum over seq dim, per batch)
    prio = jnp.cumsum(onehot, axis=1) * onehot
    pos = jnp.take_along_axis(prio, expert_idx[..., None], axis=-1)[..., 0] - 1  # 0-based slot
    within = pos < C  # capacity mask (router_mask after capacity drop)
    pos_c = jnp.clip(pos, 0, C - 1)
    b_idx = jnp.broadcast_to(jnp.arange(B)[:, None], (B, S))
    # dispatch: scatter tokens into per-expert buffers [B,E,C,D]
    xin = x * within[..., None].astype(x.dtype)
    buf = jnp.zeros((B, E, C, D), dtype=x.dtype).at[b_idx, expert_idx, pos_c].add(xin)
    # expert MLPs: c_fc -> gelu_new -> c_proj (dropout is identity in eval)
    h = jnp.einsum('becd,edf->becf', buf, W1) + b1[None, :, None, :]
    h = gelu_new(h)
    out = jnp.einsum('becf,efd->becd', h, W2) + b2[None, :, None, :]
    # combine: gather each token's expert output; dropped tokens keep original hidden
    y = out[b_idx, expert_idx, pos_c]  # [B,S,D]
    next_states = jnp.where(within[..., None], y, x)
    max_prob = jnp.max(probs, axis=-1, keepdims=True)  # router_probs [B,S,1]
    return max_prob * next_states

if __name__ == "__main__":
    import jax
    _d = setup_inputs()
    print(jax.jit(kernel)(*tuple(_d.values())))

</pallas_src>

<mosaic_0001>
#map = affine_map<(d0, d1) -> (0, 0)>
#map1 = affine_map<(d0, d1) -> (0)>
module attributes {stable_mosaic.version = 14 : i64} {
  func.func @k(%arg0: i32, %arg1: i32, %arg2: memref<12288x768xf32, #tpu.memory_space<hbm>>, %arg3: memref<4096xi32, #tpu.memory_space<hbm>>, %arg4: memref<4096x768xf32, #tpu.memory_space<hbm>>, %arg5: memref<128xi32, #tpu.memory_space<vmem>>, %arg6: memref<64x768xf32, #tpu.memory_space<vmem>>, %arg7: memref<64x768xf32, #tpu.memory_space<vmem>>, %arg8: memref<!tpu.dma_semaphore, #tpu.memory_space<semaphore_mem>>, %arg9: memref<!tpu.dma_semaphore, #tpu.memory_space<semaphore_mem>>, %arg10: memref<!tpu.dma_semaphore, #tpu.memory_space<semaphore_mem>>, %arg11: memref<!tpu.dma_semaphore, #tpu.memory_space<semaphore_mem>>) attributes {dimension_semantics = [#tpu.dimension_semantics<core_parallel>, #tpu.dimension_semantics<subcore_parallel>], iteration_bounds = array<i64: 2, 16>, scalar_prefetch = 0 : i64, scratch_operands = 7 : i64, tpu.core_type = #tpu.core_type<sc_vector_subcore>, window_params = [{transform_indices = #map}, {transform_indices = #map1}, {transform_indices = #map}]} {
    %mul3A = arith.constant 2 : i32
    %mul3A_0 = arith.muli %arg1, %mul3A : i32
    %add3A = arith.addi %mul3A_0, %arg0 : i32
    %mul3A_1 = arith.constant 128 : i32
    %mul3A_2 = arith.muli %add3A, %mul3A_1 : i32
    "tpu.region"() ({
      %run_scoped3A = tpu.sem_alloc : memref<!tpu.dma_semaphore, #tpu.memory_space<semaphore_mem>>
      %dma_start3A_39 = tpu.memref_slice %arg3[%mul3A_2] : memref<4096xi32, #tpu.memory_space<hbm>> -> memref<128xi32, #tpu.memory_space<hbm>>
      %dma_start3A_40 = tpu.memref_slice %arg3[%mul3A_2] : memref<4096xi32, #tpu.memory_space<hbm>> -> memref<128xi32, #tpu.memory_space<hbm>>
      tpu.enqueue_dma source(%dma_start3A_40 : memref<128xi32, #tpu.memory_space<hbm>>) target(%arg5 : memref<128xi32, #tpu.memory_space<vmem>>) target_semaphore(%run_scoped3A : memref<!tpu.dma_semaphore, #tpu.memory_space<semaphore_mem>>)
      %dma_wait3A_41 = tpu.memref_slice %arg3[%mul3A_2] : memref<4096xi32, #tpu.memory_space<hbm>> -> memref<128xi32, #tpu.memory_space<hbm>>
      %dma_wait3A_42 = tpu.memref_slice %arg3[%mul3A_2] : memref<4096xi32, #tpu.memory_space<hbm>> -> memref<128xi32, #tpu.memory_space<hbm>>
      tpu.wait_dma2 semaphore(%run_scoped3A : memref<!tpu.dma_semaphore, #tpu.memory_space<semaphore_mem>>) src(%dma_wait3A_42 : memref<128xi32, #tpu.memory_space<hbm>>) dst(%arg5 : memref<128xi32, #tpu.memory_space<vmem>>)
      tpu.yield
    }) : () -> ()
    %dma_start3A = arith.constant 0 : i32
    %dma_start3A_3 = tpu.memref_slice %arg5[%dma_start3A] : memref<128xi32, #tpu.memory_space<vmem>> -> memref<64xi32, #tpu.memory_space<vmem>>
    %dma_start3A_4 = arith.constant 0 : i32
    %dma_start3A_5 = arith.constant 0 : i32
    %dma_start3A_6 = tpu.memref_slice %arg2[%dma_start3A_4, %dma_start3A_5] : memref<12288x768xf32, #tpu.memory_space<hbm>> -> memref<12288x768xf32, #tpu.memory_space<hbm>>
    tpu.enqueue_indirect_dma source(%dma_start3A_6 : memref<12288x768xf32, #tpu.memory_space<hbm>>) target(%arg6 : memref<64x768xf32, #tpu.memory_space<vmem>>) offsets(%dma_start3A_3 : memref<64xi32, #tpu.memory_space<vmem>>) semaphore(%arg8 : memref<!tpu.dma_semaphore, #tpu.memory_space<semaphore_mem>>)
    %dma_start3A_7 = arith.constant 64 : i32
    %dma_start3A_8 = tpu.memref_slice %arg5[%dma_start3A_7] : memref<128xi32, #tpu.memory_space<vmem>> -> memref<64xi32, #tpu.memory_space<vmem>>
    %dma_start3A_9 = arith.constant 0 : i32
    %dma_start3A_10 = arith.constant 0 : i32
    %dma_start3A_11 = tpu.memref_slice %arg2[%dma_start3A_9, %dma_start3A_10] : memref<12288x768xf32, #tpu.memory_space<hbm>> -> memref<12288x768xf32, #tpu.memory_space<hbm>>
    tpu.enqueue_indirect_dma source(%dma_start3A_11 : memref<12288x768xf32, #tpu.memory_space<hbm>>) target(%arg7 : memref<64x768xf32, #tpu.memory_space<vmem>>) offsets(%dma_start3A_8 : memref<64xi32, #tpu.memory_space<vmem>>) semaphore(%arg9 : memref<!tpu.dma_semaphore, #tpu.memory_space<semaphore_mem>>)
    %dma_wait3A = arith.constant 0 : i32
    %dma_wait3A_12 = tpu.memref_slice %arg5[%dma_wait3A] : memref<128xi32, #tpu.memory_space<vmem>> -> memref<64xi32, #tpu.memory_space<vmem>>
    %dma_wait3A_13 = arith.constant 0 : i32
    %dma_wait3A_14 = arith.constant 0 : i32
    %dma_wait3A_15 = tpu.memref_slice %arg2[%dma_wait3A_13, %dma_wait3A_14] : memref<12288x768xf32, #tpu.memory_space<hbm>> -> memref<12288x768xf32, #tpu.memory_space<hbm>>
    tpu.wait_indirect_dma semaphore(%arg8 : memref<!tpu.dma_semaphore, #tpu.memory_space<semaphore_mem>>) src(%dma_wait3A_15 : memref<12288x768xf32, #tpu.memory_space<hbm>>) dst(%arg6 : memref<64x768xf32, #tpu.memory_space<vmem>>)
    %dma_start3A_16 = arith.constant 0 : i32
    %dma_start3A_17 = tpu.memref_slice %arg4[%mul3A_2, %dma_start3A_16] : memref<4096x768xf32, #tpu.memory_space<hbm>> -> memref<64x768xf32, #tpu.memory_space<hbm>>
    %dma_start3A_18 = arith.constant 0 : i32
    %dma_start3A_19 = tpu.memref_slice %arg4[%mul3A_2, %dma_start3A_18] : memref<4096x768xf32, #tpu.memory_space<hbm>> -> memref<64x768xf32, #tpu.memory_space<hbm>>
    tpu.enqueue_dma source(%arg6 : memref<64x768xf32, #tpu.memory_space<vmem>>) target(%dma_start3A_19 : memref<64x768xf32, #tpu.memory_space<hbm>>) target_semaphore(%arg10 : memref<!tpu.dma_semaphore, #tpu.memory_space<semaphore_mem>>)
    %dma_wait3A_20 = arith.constant 64 : i32
    %dma_wait3A_21 = tpu.memref_slice %arg5[%dma_wait3A_20] : memref<128xi32, #tpu.memory_space<vmem>> -> memref<64xi32, #tpu.memory_space<vmem>>
    %dma_wait3A_22 = arith.constant 0 : i32
    %dma_wait3A_23 = arith.constant 0 : i32
    %dma_wait3A_24 = tpu.memref_slice %arg2[%dma_wait3A_22, %dma_wait3A_23] : memref<12288x768xf32, #tpu.memory_space<hbm>> -> memref<12288x768xf32, #tpu.memory_space<hbm>>
    tpu.wait_indirect_dma semaphore(%arg9 : memref<!tpu.dma_semaphore, #tpu.memory_space<semaphore_mem>>) src(%dma_wait3A_24 : memref<12288x768xf32, #tpu.memory_space<hbm>>) dst(%arg7 : memref<64x768xf32, #tpu.memory_space<vmem>>)
    %add3A_25 = arith.constant 64 : i32
    %add3A_26 = arith.addi %mul3A_2, %add3A_25 : i32
    %dma_start3A_27 = arith.constant 0 : i32
    %dma_start3A_28 = tpu.memref_slice %arg4[%add3A_26, %dma_start3A_27] : memref<4096x768xf32, #tpu.memory_space<hbm>> -> memref<64x768xf32, #tpu.memory_space<hbm>>
    %dma_start3A_29 = arith.constant 0 : i32
    %dma_start3A_30 = tpu.memref_slice %arg4[%add3A_26, %dma_start3A_29] : memref<4096x768xf32, #tpu.memory_space<hbm>> -> memref<64x768xf32, #tpu.memory_space<hbm>>
    tpu.enqueue_dma source(%arg7 : memref<64x768xf32, #tpu.memory_space<vmem>>) target(%dma_start3A_30 : memref<64x768xf32, #tpu.memory_space<hbm>>) target_semaphore(%arg11 : memref<!tpu.dma_semaphore, #tpu.memory_space<semaphore_mem>>)
    %dma_wait3A_31 = arith.constant 0 : i32
    %dma_wait3A_32 = tpu.memref_slice %arg4[%mul3A_2, %dma_wait3A_31] : memref<4096x768xf32, #tpu.memory_space<hbm>> -> memref<64x768xf32, #tpu.memory_space<hbm>>
    %dma_wait3A_33 = arith.constant 0 : i32
    %dma_wait3A_34 = tpu.memref_slice %arg4[%mul3A_2, %dma_wait3A_33] : memref<4096x768xf32, #tpu.memory_space<hbm>> -> memref<64x768xf32, #tpu.memory_space<hbm>>
    tpu.wait_dma2 semaphore(%arg10 : memref<!tpu.dma_semaphore, #tpu.memory_space<semaphore_mem>>) src(%arg6 : memref<64x768xf32, #tpu.memory_space<vmem>>) dst(%dma_wait3A_34 : memref<64x768xf32, #tpu.memory_space<hbm>>)
    %dma_wait3A_35 = arith.constant 0 : i32
    %dma_wait3A_36 = tpu.memref_slice %arg4[%add3A_26, %dma_wait3A_35] : memref<4096x768xf32, #tpu.memory_space<hbm>> -> memref<64x768xf32, #tpu.memory_space<hbm>>
    %dma_wait3A_37 = arith.constant 0 : i32
    %dma_wait3A_38 = tpu.memref_slice %arg4[%add3A_26, %dma_wait3A_37] : memref<4096x768xf32, #tpu.memory_space<hbm>> -> memref<64x768xf32, #tpu.memory_space<hbm>>
    tpu.wait_dma2 semaphore(%arg11 : memref<!tpu.dma_semaphore, #tpu.memory_space<semaphore_mem>>) src(%arg7 : memref<64x768xf32, #tpu.memory_space<vmem>>) dst(%dma_wait3A_38 : memref<64x768xf32, #tpu.memory_space<hbm>>)
    return
  }
}

module attributes {stable_mosaic.version = 14 : i64} {
  func.func @_fused_body(%arg0: i32, %arg1: memref<4096x768xf32, #tpu.memory_space<vmem>>, %arg2: memref<768x64xf32, #tpu.memory_space<vmem>>, %arg3: memref<1x64xf32, #tpu.memory_space<vmem>>, %arg4: memref<1x768x3072xf32, #tpu.memory_space<vmem>>, %arg5: memref<1x1x3072xf32, #tpu.memory_space<vmem>>, %arg6: memref<1x3072x768xf32, #tpu.memory_space<vmem>>, %arg7: memref<1x1x768xf32, #tpu.memory_space<vmem>>, %arg8: memref<512x768xf32, #tpu.memory_space<vmem>>, %arg9: memref<2x2048xi32, #tpu.memory_space<vmem>>, %arg10: memref<64x128xi32, #tpu.memory_space<vmem>>, %arg11: memref<64x128xi32, #tpu.memory_space<smem>>, %arg12: memref<64x128xf32, #tpu.memory_space<vmem>>, %arg13: memref<4096x1xf32, #tpu.memory_space<vmem>>, %arg14: memref<128x768xf32, #tpu.memory_space<vmem>>, %arg15: memref<!tpu.dma_semaphore, #tpu.memory_space<semaphore_mem>>) attributes {dimension_semantics = [#tpu.dimension_semantics<arbitrary>], iteration_bounds = array<i64: 72>, scalar_prefetch = 0 : i64, scratch_operands = 6 : i64, tpu.core_type = #tpu.core_type<tc>, window_params = [{pipeline_mode = #tpu.pipeline_mode<synchronous>, transform_indices = @transform_0, window_bounds = array<i64: 4096, 768>}, {pipeline_mode = #tpu.pipeline_mode<synchronous>, transform_indices = @transform_1, window_bounds = array<i64: 768, 64>}, {pipeline_mode = #tpu.pipeline_mode<synchronous>, transform_indices = @transform_2, window_bounds = array<i64: 1, 64>}, {transform_indices = @transform_3, window_bounds = array<i64: 1, 768, 3072>}, {transform_indices = @transform_4, window_bounds = array<i64: 1, 1, 3072>}, {transform_indices = @transform_5, window_bounds = array<i64: 1, 3072, 768>}, {transform_indices = @transform_6, window_bounds = array<i64: 1, 1, 768>}, {transform_indices = @transform_7, window_bounds = array<i64: 512, 768>}, {pipeline_mode = #tpu.pipeline_mode<synchronous>, transform_indices = @transform_8, window_bounds = array<i64: 2, 2048>}]} {
    %eq3A = arith.constant 0 : i32
    %eq3A_0 = arith.cmpi eq, %arg0, %eq3A : i32
    %convert_element_type3A = arith.extui %eq3A_0 : i1 to i32
    %cond3A = arith.constant 0 : i32
    %cond3A_1 = arith.cmpi ne, %convert_element_type3A, %cond3A : i32
    scf.if %cond3A_1 {
      %get3A = arith.constant 0 : index
      %get3A_10 = arith.constant 0 : index
      %get3A_11 = vector.load %arg1[%get3A, %get3A_10] : memref<4096x768xf32, #tpu.memory_space<vmem>>, vector<4096x768xf32>
      %get3A_12 = arith.constant 0 : index
      %get3A_13 = arith.constant 0 : index
      %get3A_14 = vector.load %arg2[%get3A_12, %get3A_13] : memref<768x64xf32, #tpu.memory_space<vmem>>, vector<768x64xf32>
      %dot_general3A = arith.constant dense<0.000000e+00> : vector<4096x64xf32>
      %dot_general3A_15 = tpu.matmul %get3A_11, %get3A_14, %dot_general3A {dimension_numbers = #tpu.dot_dimension_numbers<[1], [0], [0], [1], [0, 0, 1, 1], [], []>, transpose_lhs_hint = false} : vector<4096x768xf32>, vector<768x64xf32>, vector<4096x64xf32> -> vector<4096x64xf32>
      %get3A_16 = arith.constant 0 : index
      %get3A_17 = arith.constant 0 : index
      %get3A_18 = vector.load %arg3[%get3A_16, %get3A_17] : memref<1x64xf32, #tpu.memory_space<vmem>>, vector<1x64xf32>
      %add3A = vector.broadcast %get3A_18 : vector<1x64xf32> to vector<4096x64xf32>
      %add3A_19 = arith.addf %dot_general3A_15, %add3A : vector<4096x64xf32>
      %reshape3A = vector.shape_cast %add3A_19 : vector<4096x64xf32> to vector<2x2048x64xf32>
      %reduce_max3A = arith.constant dense<0xFF800000> : vector<2x2048xf32>
      %reduce_max3A_20 = vector.multi_reduction <maximumf>, %reshape3A, %reduce_max3A [2] : vector<2x2048x64xf32> to vector<2x2048xf32>
      %broadcast_in_dim3A = vector.shape_cast %reduce_max3A_20 : vector<2x2048xf32> to vector<2x2048x1xf32>
      %sub3A = vector.broadcast %broadcast_in_dim3A : vector<2x2048x1xf32> to vector<2x2048x64xf32>
      %sub3A_21 = arith.subf %reshape3A, %sub3A : vector<2x2048x64xf32>
      %exp3A = math.exp %sub3A_21 : vector<2x2048x64xf32>
      %reduce_sum3A = arith.constant dense<0.000000e+00> : vector<2x2048xf32>
      %reduce_sum3A_22 = vector.multi_reduction <add>, %exp3A, %reduce_sum3A [2] : vector<2x2048x64xf32> to vector<2x2048xf32>
      %broadcast_in_dim3A_23 = vector.shape_cast %reduce_sum3A_22 : vector<2x2048xf32> to vector<2x2048x1xf32>
      %div3A = arith.constant 1.000000e+00 : f32
      %div3A_24 = vector.broadcast %div3A : f32 to vector<2x2048x1xf32>
      %div3A_25 = arith.divf %div3A_24, %broadcast_in_dim3A_23 : vector<2x2048x1xf32>
      %iota3A = tpu.iota {dimensions = array<i32: 2>} : vector<2x2048x64xi32>
      %eq3A_26 = vector.broadcast %broadcast_in_dim3A : vector<2x2048x1xf32> to vector<2x2048x64xf32>
      %eq3A_27 = arith.cmpf oeq, %reshape3A, %eq3A_26 : vector<2x2048x64xf32>
      %jit3A = arith.constant 64 : i32
      %broadcast_in_dim3A_28 = vector.broadcast %jit3A : i32 to vector<2x2048x64xi32>
      %select_n3A = arith.select %eq3A_27, %iota3A, %broadcast_in_dim3A_28 : vector<2x2048x64xi1>, vector<2x2048x64xi32>
      %reduce_min3A = arith.constant dense<2147483647> : vector<2x2048xi32>
      %reduce_min3A_29 = vector.multi_reduction <minsi>, %select_n3A, %reduce_min3A [2] : vector<2x2048x64xi32> to vector<2x2048xi32>
      %broadcast_in_dim3A_30 = vector.shape_cast %reduce_min3A_29 : vector<2x2048xi32> to vector<2x2048x1xi32>
      %eq3A_31 = vector.broadcast %broadcast_in_dim3A_30 : vector<2x2048x1xi32> to vector<2x2048x64xi32>
      %eq3A_32 = arith.cmpi eq, %iota3A, %eq3A_31 : vector<2x2048x64xi32>
      %convert_element_type3A_33 = arith.extui %eq3A_32 : vector<2x2048x64xi1> to vector<2x2048x64xi32>
      %convert_element_type3A_34 = arith.sitofp %convert_element_type3A_33 : vector<2x2048x64xi32> to vector<2x2048x64xf32>
      %broadcast_in_dim3A_35 = arith.constant 0.000000e+00 : f32
      %broadcast_in_dim3A_36 = vector.broadcast %broadcast_in_dim3A_35 : f32 to vector<2x1x64xf32>
      %slice3A = vector.extract_strided_slice %convert_element_type3A_34 {offsets = [0, 0, 0], sizes = [2, 2047, 64], strides = [1, 1, 1]} : vector<2x2048x64xf32> to vector<2x2047x64xf32>
      %concatenate3A = tpu.concatenate %broadcast_in_dim3A_36, %slice3A in 1 : vector<2x1x64xf32>, vector<2x2047x64xf32> -> vector<2x2048x64xf32>
      %add3A_37 = arith.addf %convert_element_type3A_34, %concatenate3A : vector<2x2048x64xf32>
      %broadcast_in_dim3A_38 = arith.constant 0.000000e+00 : f32
      %broadcast_in_dim3A_39 = vector.broadcast %broadcast_in_dim3A_38 : f32 to vector<2x2x64xf32>
      %slice3A_40 = vector.extract_strided_slice %add3A_37 {offsets = [0, 0, 0], sizes = [2, 2046, 64], strides = [1, 1, 1]} : vector<2x2048x64xf32> to vector<2x2046x64xf32>
      %concatenate3A_41 = tpu.concatenate %broadcast_in_dim3A_39, %slice3A_40 in 1 : vector<2x2x64xf32>, vector<2x2046x64xf32> -> vector<2x2048x64xf32>
      %add3A_42 = arith.addf %add3A_37, %concatenate3A_41 : vector<2x2048x64xf32>
      %broadcast_in_dim3A_43 = arith.constant 0.000000e+00 : f32
      %broadcast_in_dim3A_44 = vector.broadcast %broadcast_in_dim3A_43 : f32 to vector<2x4x64xf32>
      %slice3A_45 = vector.extract_strided_slice %add3A_42 {offsets = [0, 0, 0], sizes = [2, 2044, 64], strides = [1, 1, 1]} : vector<2x2048x64xf32> to vector<2x2044x64xf32>
      %concatenate3A_46 = tpu.concatenate %broadcast_in_dim3A_44, %slice3A_45 in 1 : vector<2x4x64xf32>, vector<2x2044x64xf32> -> vector<2x2048x64xf32>
      %add3A_47 = arith.addf %add3A_42, %concatenate3A_46 : vector<2x2048x64xf32>
      %broadcast_in_dim3A_48 = arith.constant 0.000000e+00 : f32
      %broadcast_in_dim3A_49 = vector.broadcast %broadcast_in_dim3A_48 : f32 to vector<2x8x64xf32>
      %slice3A_50 = vector.extract_strided_slice %add3A_47 {offsets = [0, 0, 0], sizes = [2, 2040, 64], strides = [1, 1, 1]} : vector<2x2048x64xf32> to vector<2x2040x64xf32>
      %concatenate3A_51 = tpu.concatenate %broadcast_in_dim3A_49, %slice3A_50 in 1 : vector<2x8x64xf32>, vector<2x2040x64xf32> -> vector<2x2048x64xf32>
      %add3A_52 = arith.addf %add3A_47, %concatenate3A_51 : vector<2x2048x64xf32>
      %broadcast_in_dim3A_53 = arith.constant 0.000000e+00 : f32
      %broadcast_in_dim3A_54 = vector.broadcast %broadcast_in_dim3A_53 : f32 to vector<2x16x64xf32>
      %slice3A_55 = vector.extract_strided_slice %add3A_52 {offsets = [0, 0, 0], sizes = [2, 2032, 64], strides = [1, 1, 1]} : vector<2x2048x64xf32> to vector<2x2032x64xf32>
      %concatenate3A_56 = tpu.concatenate %broadcast_in_dim3A_54, %slice3A_55 in 1 : vector<2x16x64xf32>, vector<2x2032x64xf32> -> vector<2x2048x64xf32>
      %add3A_57 = arith.addf %add3A_52, %concatenate3A_56 : vector<2x2048x64xf32>
      %broadcast_in_dim3A_58 = arith.constant 0.000000e+00 : f32
      %broadcast_in_dim3A_59 = vector.broadcast %broadcast_in_dim3A_58 : f32 to vector<2x32x64xf32>
      %slice3A_60 = vector.extract_strided_slice %add3A_57 {offsets = [0, 0, 0], sizes = [2, 2016, 64], strides = [1, 1, 1]} : vector<2x2048x64xf32> to vector<2x2016x64xf32>
      %concatenate3A_61 = tpu.concatenate %broadcast_in_dim3A_59, %slice3A_60 in 1 : vector<2x32x64xf32>, vector<2x2016x64xf32> -> vector<2x2048x64xf32>
      %add3A_62 = arith.addf %add3A_57, %concatenate3A_61 : vector<2x2048x64xf32>
      %broadcast_in_dim3A_63 = arith.constant 0.000000e+00 : f32
      %broadcast_in_dim3A_64 = vector.broadcast %broadcast_in_dim3A_63 : f32 to vector<2x64x64xf32>
      %slice3A_65 = vector.extract_strided_slice %add3A_62 {offsets = [0, 0, 0], sizes = [2, 1984, 64], strides = [1, 1, 1]} : vector<2x2048x64xf32> to vector<2x1984x64xf32>
      %concatenate3A_66 = tpu.concatenate %broadcast_in_dim3A_64, %slice3A_65 in 1 : vector<2x64x64xf32>, vector<2x1984x64xf32> -> vector<2x2048x64xf32>
      %add3A_67 = arith.addf %add3A_62, %concatenate3A_66 : vector<2x2048x64xf32>
      %broadcast_in_dim3A_68 = arith.constant 0.000000e+00 : f32
      %broadcast_in_dim3A_69 = vector.broadcast %broadcast_in_dim3A_68 : f32 to vector<2x128x64xf32>
      %slice3A_70 = vector.extract_strided_slice %add3A_67 {offsets = [0, 0, 0], sizes = [2, 1920, 64], strides = [1, 1, 1]} : vector<2x2048x64xf32> to vector<2x1920x64xf32>
      %concatenate3A_71 = tpu.concatenate %broadcast_in_dim3A_69, %slice3A_70 in 1 : vector<2x128x64xf32>, vector<2x1920x64xf32> -> vector<2x2048x64xf32>
      %add3A_72 = arith.addf %add3A_67, %concatenate3A_71 : vector<2x2048x64xf32>
      %broadcast_in_dim3A_73 = arith.constant 0.000000e+00 : f32
      %broadcast_in_dim3A_74 = vector.broadcast %broadcast_in_dim3A_73 : f32 to vector<2x256x64xf32>
      %slice3A_75 = vector.extract_strided_slice %add3A_72 {offsets = [0, 0, 0], sizes = [2, 1792, 64], strides = [1, 1, 1]} : vector<2x2048x64xf32> to vector<2x1792x64xf32>
      %concatenate3A_76 = tpu.concatenate %broadcast_in_dim3A_74, %slice3A_75 in 1 : vector<2x256x64xf32>, vector<2x1792x64xf32> -> vector<2x2048x64xf32>
      %add3A_77 = arith.addf %add3A_72, %concatenate3A_76 : vector<2x2048x64xf32>
      %broadcast_in_dim3A_78 = arith.constant 0.000000e+00 : f32
      %broadcast_in_dim3A_79 = vector.broadcast %broadcast_in_dim3A_78 : f32 to vector<2x512x64xf32>
      %slice3A_80 = vector.extract_strided_slice %add3A_77 {offsets = [0, 0, 0], sizes = [2, 1536, 64], strides = [1, 1, 1]} : vector<2x2048x64xf32> to vector<2x1536x64xf32>
      %concatenate3A_81 = tpu.concatenate %broadcast_in_dim3A_79, %slice3A_80 in 1 : vector<2x512x64xf32>, vector<2x1536x64xf32> -> vector<2x2048x64xf32>
      %add3A_82 = arith.addf %add3A_77, %concatenate3A_81 : vector<2x2048x64xf32>
      %broadcast_in_dim3A_83 = arith.constant 0.000000e+00 : f32
      %broadcast_in_dim3A_84 = vector.broadcast %broadcast_in_dim3A_83 : f32 to vector<2x1024x64xf32>
      %slice3A_85 = vector.extract_strided_slice %add3A_82 {offsets = [0, 0, 0], sizes = [2, 1024, 64], strides = [1, 1, 1]} : vector<2x2048x64xf32> to vector<2x1024x64xf32>
      %concatenate3A_86 = tpu.concatenate %broadcast_in_dim3A_84, %slice3A_85 in 1 : vector<2x1024x64xf32>, vector<2x1024x64xf32> -> vector<2x2048x64xf32>
      %add3A_87 = arith.addf %add3A_82, %concatenate3A_86 : vector<2x2048x64xf32>
      %mul3A = arith.mulf %add3A_87, %convert_element_type3A_34 : vector<2x2048x64xf32>
      %reduce_sum3A_88 = arith.constant dense<0.000000e+00> : vector<2x2048xf32>
      %reduce_sum3A_89 = vector.multi_reduction <add>, %mul3A, %reduce_sum3A_88 [2] : vector<2x2048x64xf32> to vector<2x2048xf32>
      %sub3A_90 = arith.constant 1.000000e+00 : f32
      %sub3A_91 = vector.broadcast %sub3A_90 : f32 to vector<2x2048xf32>
      %sub3A_92 = arith.subf %reduce_sum3A_89, %sub3A_91 : vector<2x2048xf32>
      %iota3A_93 = tpu.iota {dimensions = array<i32: 2>} : vector<2x2048x64xi32>
      %convert_element_type3A_94 = arith.sitofp %iota3A_93 : vector<2x2048x64xi32> to vector<2x2048x64xf32>
      %broadcast_in_dim3A_95 = vector.shape_cast %sub3A_92 : vector<2x2048xf32> to vector<2x2048x1xf32>
      %eq3A_96 = vector.broadcast %broadcast_in_dim3A_95 : vector<2x2048x1xf32> to vector<2x2048x64xf32>
      %eq3A_97 = arith.cmpf oeq, %convert_element_type3A_94, %eq3A_96 : vector<2x2048x64xf32>
      %convert_element_type3A_98 = arith.extui %eq3A_97 : vector<2x2048x64xi1> to vector<2x2048x64xi32>
      %convert_element_type3A_99 = arith.sitofp %convert_element_type3A_98 : vector<2x2048x64xi32> to vector<2x2048x64xf32>
      %iota3A_100 = tpu.iota {dimensions = array<i32: 1>} : vector<2x2048x64xi32>
      %convert_element_type3A_101 = arith.sitofp %iota3A_100 : vector<2x2048x64xi32> to vector<2x2048x64xf32>
      %add3A_102 = arith.constant 1.000000e+00 : f32
      %add3A_103 = vector.broadcast %add3A_102 : f32 to vector<2x2048x64xf32>
      %add3A_104 = arith.addf %convert_element_type3A_101, %add3A_103 : vector<2x2048x64xf32>
      %slice3A_105 = vector.extract_strided_slice %convert_element_type3A_34 {offsets = [0, 0, 0], sizes = [1, 2048, 64], strides = [1, 1, 1]} : vector<2x2048x64xf32> to vector<1x2048x64xf32>
      %squeeze3A = vector.shape_cast %slice3A_105 : vector<1x2048x64xf32> to vector<2048x64xf32>
      %slice3A_106 = vector.extract_strided_slice %add3A_104 {offsets = [0, 0, 0], sizes = [1, 2048, 64], strides = [1, 1, 1]} : vector<2x2048x64xf32> to vector<1x2048x64xf32>
      %squeeze3A_107 = vector.shape_cast %slice3A_106 : vector<1x2048x64xf32> to vector<2048x64xf32>
      %mul3A_108 = arith.mulf %squeeze3A, %squeeze3A_107 : vector<2048x64xf32>
      %slice3A_109 = vector.extract_strided_slice %convert_element_type3A_99 {offsets = [0, 0, 0], sizes = [1, 2048, 64], strides = [1, 1, 1]} : vector<2x2048x64xf32> to vector<1x2048x64xf32>
      %squeeze3A_110 = vector.shape_cast %slice3A_109 : vector<1x2048x64xf32> to vector<2048x64xf32>
      %dot_general3A_111 = arith.constant dense<0.000000e+00> : vector<64x64xf32>
      %dot_general3A_112 = tpu.matmul %mul3A_108, %squeeze3A_110, %dot_general3A_111 {dimension_numbers = #tpu.dot_dimension_numbers<[0], [0], [1], [1], [0, 1, 1, 1], [], []>, precision = #tpu.contract_precision<fp32>, transpose_lhs_hint = false} : vector<2048x64xf32>, vector<2048x64xf32>, vector<64x64xf32> -> vector<64x64xf32>
      %slice3A_113 = vector.extract_strided_slice %convert_element_type3A_34 {offsets = [0, 0, 0], sizes = [1, 2048, 64], strides = [1, 1, 1]} : vector<2x2048x64xf32> to vector<1x2048x64xf32>
      %squeeze3A_114 = vector.shape_cast %slice3A_113 : vector<1x2048x64xf32> to vector<2048x64xf32>
      %slice3A_115 = vector.extract_strided_slice %div3A_25 {offsets = [0, 0, 0], sizes = [1, 2048, 1], strides = [1, 1, 1]} : vector<2x2048x1xf32> to vector<1x2048x1xf32>
      %squeeze3A_116 = vector.shape_cast %slice3A_115 : vector<1x2048x1xf32> to vector<2048x1xf32>
      %mul3A_117 = vector.broadcast %squeeze3A_116 : vector<2048x1xf32> to vector<2048x64xf32>
      %mul3A_118 = arith.mulf %squeeze3A_114, %mul3A_117 : vector<2048x64xf32>
      %slice3A_119 = vector.extract_strided_slice %convert_element_type3A_99 {offsets = [0, 0, 0], sizes = [1, 2048, 64], strides = [1, 1, 1]} : vector<2x2048x64xf32> to vector<1x2048x64xf32>
      %squeeze3A_120 = vector.shape_cast %slice3A_119 : vector<1x2048x64xf32> to vector<2048x64xf32>
      %dot_general3A_121 = arith.constant dense<0.000000e+00> : vector<64x64xf32>
      %dot_general3A_122 = tpu.matmul %mul3A_118, %squeeze3A_120, %dot_general3A_121 {dimension_numbers = #tpu.dot_dimension_numbers<[0], [0], [1], [1], [0, 1, 1, 1], [], []>, precision = #tpu.contract_precision<fp32>, transpose_lhs_hint = false} : vector<2048x64xf32>, vector<2048x64xf32>, vector<64x64xf32> -> vector<64x64xf32>
      %convert_element_type3A_123 = arith.fptosi %dot_general3A_112 : vector<64x64xf32> to vector<64x64xi32>
      %sub3A_124 = arith.constant 1 : i32
      %sub3A_125 = vector.broadcast %sub3A_124 : i32 to vector<64x64xi32>
      %sub3A_126 = arith.subi %convert_element_type3A_123, %sub3A_125 : vector<64x64xi32>
      %max3A = arith.constant 0 : i32
      %max3A_127 = vector.broadcast %max3A : i32 to vector<64x64xi32>
      %max3A_128 = arith.maxsi %sub3A_126, %max3A_127 : vector<64x64xi32>
      %add3A_129 = arith.constant 0 : i32
      %add3A_130 = vector.broadcast %add3A_129 : i32 to vector<64x64xi32>
      %add3A_131 = arith.addi %max3A_128, %add3A_130 : vector<64x64xi32>
      %slice3A_132 = vector.extract_strided_slice %convert_element_type3A_34 {offsets = [1, 0, 0], sizes = [1, 2048, 64], strides = [1, 1, 1]} : vector<2x2048x64xf32> to vector<1x2048x64xf32>
      %squeeze3A_133 = vector.shape_cast %slice3A_132 : vector<1x2048x64xf32> to vector<2048x64xf32>
      %slice3A_134 = vector.extract_strided_slice %add3A_104 {offsets = [1, 0, 0], sizes = [1, 2048, 64], strides = [1, 1, 1]} : vector<2x2048x64xf32> to vector<1x2048x64xf32>
      %squeeze3A_135 = vector.shape_cast %slice3A_134 : vector<1x2048x64xf32> to vector<2048x64xf32>
      %mul3A_136 = arith.mulf %squeeze3A_133, %squeeze3A_135 : vector<2048x64xf32>
      %slice3A_137 = vector.extract_strided_slice %convert_element_type3A_99 {offsets = [1, 0, 0], sizes = [1, 2048, 64], strides = [1, 1, 1]} : vector<2x2048x64xf32> to vector<1x2048x64xf32>
      %squeeze3A_138 = vector.shape_cast %slice3A_137 : vector<1x2048x64xf32> to vector<2048x64xf32>
      %dot_general3A_139 = arith.constant dense<0.000000e+00> : vector<64x64xf32>
      %dot_general3A_140 = tpu.matmul %mul3A_136, %squeeze3A_138, %dot_general3A_139 {dimension_numbers = #tpu.dot_dimension_numbers<[0], [0], [1], [1], [0, 1, 1, 1], [], []>, precision = #tpu.contract_precision<fp32>, transpose_lhs_hint = false} : vector<2048x64xf32>, vector<2048x64xf32>, vector<64x64xf32> -> vector<64x64xf32>
      %slice3A_141 = vector.extract_strided_slice %convert_element_type3A_34 {offsets = [1, 0, 0], sizes = [1, 2048, 64], strides = [1, 1, 1]} : vector<2x2048x64xf32> to vector<1x2048x64xf32>
      %squeeze3A_142 = vector.shape_cast %slice3A_141 : vector<1x2048x64xf32> to vector<2048x64xf32>
      %slice3A_143 = vector.extract_strided_slice %div3A_25 {offsets = [1, 0, 0], sizes = [1, 2048, 1], strides = [1, 1, 1]} : vector<2x2048x1xf32> to vector<1x2048x1xf32>
      %squeeze3A_144 = vector.shape_cast %slice3A_143 : vector<1x2048x1xf32> to vector<2048x1xf32>
      %mul3A_145 = vector.broadcast %squeeze3A_144 : vector<2048x1xf32> to vector<2048x64xf32>
      %mul3A_146 = arith.mulf %squeeze3A_142, %mul3A_145 : vector<2048x64xf32>
      %slice3A_147 = vector.extract_strided_slice %convert_element_type3A_99 {offsets = [1, 0, 0], sizes = [1, 2048, 64], strides = [1, 1, 1]} : vector<2x2048x64xf32> to vector<1x2048x64xf32>
      %squeeze3A_148 = vector.shape_cast %slice3A_147 : vector<1x2048x64xf32> to vector<2048x64xf32>
      %dot_general3A_149 = arith.constant dense<0.000000e+00> : vector<64x64xf32>
      %dot_general3A_150 = tpu.matmul %mul3A_146, %squeeze3A_148, %dot_general3A_149 {dimension_numbers = #tpu.dot_dimension_numbers<[0], [0], [1], [1], [0, 1, 1, 1], [], []>, precision = #tpu.contract_precision<fp32>, transpose_lhs_hint = false} : vector<2048x64xf32>, vector<2048x64xf32>, vector<64x64xf32> -> vector<64x64xf32>
      %convert_element_type3A_151 = arith.fptosi %dot_general3A_140 : vector<64x64xf32> to vector<64x64xi32>
      %sub3A_152 = arith.constant 1 : i32
      %sub3A_153 = vector.broadcast %sub3A_152 : i32 to vector<64x64xi32>
      %sub3A_154 = arith.subi %convert_element_type3A_151, %sub3A_153 : vector<64x64xi32>
      %max3A_155 = arith.constant 0 : i32
      %max3A_156 = vector.broadcast %max3A_155 : i32 to vector<64x64xi32>
      %max3A_157 = arith.maxsi %sub3A_154, %max3A_156 : vector<64x64xi32>
      %add3A_158 = arith.constant 2048 : i32
      %add3A_159 = vector.broadcast %add3A_158 : i32 to vector<64x64xi32>
      %add3A_160 = arith.addi %max3A_157, %add3A_159 : vector<64x64xi32>
      %concatenate3A_161 = tpu.concatenate %add3A_131, %add3A_160 in 1 : vector<64x64xi32>, vector<64x64xi32> -> vector<64x128xi32>
      %swap3A = arith.constant 0 : index
      %swap3A_162 = arith.constant 0 : index
      %swap3A_163 = vector.load %arg10[%swap3A, %swap3A_162] : memref<64x128xi32, #tpu.memory_space<vmem>>, vector<64x128xi32>
      tpu.vector_store %arg10[%swap3A, %swap3A_162], %concatenate3A_161 {strides = array<i32>} : memref<64x128xi32, #tpu.memory_space<vmem>>, vector<64x128xi32>,
      %concatenate3A_164 = tpu.concatenate %dot_general3A_122, %dot_general3A_150 in 1 : vector<64x64xf32>, vector<64x64xf32> -> vector<64x128xf32>
      %swap3A_165 = arith.constant 0 : index
      %swap3A_166 = arith.constant 0 : index
      %swap3A_167 = vector.load %arg12[%swap3A_165, %swap3A_166] : memref<64x128xf32, #tpu.memory_space<vmem>>, vector<64x128xf32>
      tpu.vector_store %arg12[%swap3A_165, %swap3A_166], %concatenate3A_164 {strides = array<i32>} : memref<64x128xf32, #tpu.memory_space<vmem>>, vector<64x128xf32>,
      %reshape3A_168 = vector.shape_cast %div3A_25 : vector<2x2048x1xf32> to vector<4096x1xf32>
      %swap3A_169 = arith.constant 0 : index
      %swap3A_170 = arith.constant 0 : index
      %swap3A_171 = vector.load %arg13[%swap3A_169, %swap3A_170] : memref<4096x1xf32, #tpu.memory_space<vmem>>, vector<4096x1xf32>
      tpu.vector_store %arg13[%swap3A_169, %swap3A_170], %reshape3A_168 {strides = array<i32>} : memref<4096x1xf32, #tpu.memory_space<vmem>>, vector<4096x1xf32>,
      %convert_element_type3A_172 = arith.fptosi %sub3A_92 : vector<2x2048xf32> to vector<2x2048xi32>
      %lt3A_173 = arith.constant 6.400000e+01 : f32
      %lt3A_174 = vector.broadcast %lt3A_173 : f32 to vector<2x2048xf32>
      %lt3A_175 = arith.cmpf olt, %sub3A_92, %lt3A_174 : vector<2x2048xf32>
      %iota3A_176 = tpu.iota {dimensions = array<i32: 0>} : vector<2x2048xi32>
      %iota3A_177 = tpu.iota {dimensions = array<i32: 1>} : vector<2x2048xi32>
      %mul3A_178 = arith.constant 128 : i32
      %mul3A_179 = vector.broadcast %mul3A_178 : i32 to vector<2x2048xi32>
      %mul3A_180 = arith.muli %reduce_min3A_29, %mul3A_179 : vector<2x2048xi32>
      %mul3A_181 = arith.constant 64 : i32
      %mul3A_182 = vector.broadcast %mul3A_181 : i32 to vector<2x2048xi32>
      %mul3A_183 = arith.muli %iota3A_176, %mul3A_182 : vector<2x2048xi32>
      %add3A_184 = arith.addi %mul3A_180, %mul3A_183 : vector<2x2048xi32>
      %min3A = arith.constant 63 : i32
      %min3A_185 = vector.broadcast %min3A : i32 to vector<2x2048xi32>
      %min3A_186 = arith.minsi %convert_element_type3A_172, %min3A_185 : vector<2x2048xi32>
      %add3A_187 = arith.addi %add3A_184, %min3A_186 : vector<2x2048xi32>
      %mul3A_188 = arith.constant 2048 : i32
      %mul3A_189 = vector.broadcast %mul3A_188 : i32 to vector<2x2048xi32>
      %mul3A_190 = arith.muli %iota3A_176, %mul3A_189 : vector<2x2048xi32>
      %add3A_191 = arith.constant 8192 : i32
      %add3A_192 = vector.broadcast %add3A_191 : i32 to vector<2x2048xi32>
      %add3A_193 = arith.addi %add3A_192, %mul3A_190 : vector<2x2048xi32>
      %add3A_194 = arith.addi %add3A_193, %iota3A_177 : vector<2x2048xi32>
      %select_n3A_195 = arith.select %lt3A_175, %add3A_187, %add3A_194 : vector<2x2048xi1>, vector<2x2048xi32>
      %swap3A_196 = arith.constant 0 : index
      %swap3A_197 = arith.constant 0 : index
      %swap3A_198 = vector.load %arg9[%swap3A_196, %swap3A_197] : memref<2x2048xi32, #tpu.memory_space<vmem>>, vector<2x2048xi32>
      tpu.vector_store %arg9[%swap3A_196, %swap3A_197], %select_n3A_195 {strides = array<i32>} : memref<2x2048xi32, #tpu.memory_space<vmem>>, vector<2x2048xi32>,
      tpu.enqueue_dma source(%arg10 : memref<64x128xi32, #tpu.memory_space<vmem>>) target(%arg11 : memref<64x128xi32, #tpu.memory_space<smem>>) target_semaphore(%arg15 : memref<!tpu.dma_semaphore, #tpu.memory_space<semaphore_mem>>)
      tpu.wait_dma2 semaphore(%arg15 : memref<!tpu.dma_semaphore, #tpu.memory_space<semaphore_mem>>) src(%arg10 : memref<64x128xi32, #tpu.memory_space<vmem>>) dst(%arg11 : memref<64x128xi32, #tpu.memory_space<smem>>)
    } else {
    }
    %lt3A = arith.constant 64 : i32
    %lt3A_2 = arith.cmpi slt, %arg0, %lt3A : i32
    %convert_element_type3A_3 = arith.extui %lt3A_2 : i1 to i32
    %cond3A_4 = arith.constant 0 : i32
    %cond3A_5 = arith.cmpi ne, %convert_element_type3A_3, %cond3A_4 : i32
    scf.if %cond3A_5 {
      %scan3A = arith.constant 0 : i32
      %get3A = arith.index_cast %arg0 : i32 to index
      %get3A_10 = arith.index_cast %scan3A : i32 to index
      %get3A_11 = memref.load %arg11[%get3A, %get3A_10] : memref<64x128xi32, #tpu.memory_space<smem>>
      %get3A_12 = arith.index_cast %get3A_11 : i32 to index
      %get3A_13 = arith.constant 0 : index
      %get3A_14 = vector.load %arg1[%get3A_12, %get3A_13] : memref<4096x768xf32, #tpu.memory_space<vmem>>, vector<1x768xf32>
      %swap3A = arith.index_cast %scan3A : i32 to index
      %swap3A_15 = arith.constant 0 : index
      %swap3A_16 = vector.load %arg14[%swap3A, %swap3A_15] : memref<128x768xf32, #tpu.memory_space<vmem>>, vector<1x768xf32>
      tpu.vector_store %arg14[%swap3A, %swap3A_15], %get3A_14 {strides = array<i32>} : memref<128x768xf32, #tpu.memory_space<vmem>>, vector<1x768xf32>,
      %scan3A_17 = arith.constant 1 : i32
      %get3A_18 = arith.index_cast %arg0 : i32 to index
      %get3A_19 = arith.index_cast %scan3A_17 : i32 to index
      %get3A_20 = memref.load %arg11[%get3A_18, %get3A_19] : memref<64x128xi32, #tpu.memory_space<smem>>
      %get3A_21 = arith.index_cast %get3A_20 : i32 to index
      %get3A_22 = arith.constant 0 : index
      %get3A_23 = vector.load %arg1[%get3A_21, %get3A_22] : memref<4096x768xf32, #tpu.memory_space<vmem>>, vector<1x768xf32>
      %swap3A_24 = arith.index_cast %scan3A_17 : i32 to index
      %swap3A_25 = arith.constant 0 : index
      %swap3A_26 = vector.load %arg14[%swap3A_24, %swap3A_25] : memref<128x768xf32, #tpu.memory_space<vmem>>, vector<1x768xf32>
      tpu.vector_store %arg14[%swap3A_24, %swap3A_25], %get3A_23 {strides = array<i32>} : memref<128x768xf32, #tpu.memory_space<vmem>>, vector<1x768xf32>,
      %scan3A_27 = arith.constant 2 : i32
      %get3A_28 = arith.index_cast %arg0 : i32 to index
      %get3A_29 = arith.index_cast %scan3A_27 : i32 to index
      %get3A_30 = memref.load %arg11[%get3A_28, %get3A_29] : memref<64x128xi32, #tpu.memory_space<smem>>
      %get3A_31 = arith.index_cast %get3A_30 : i32 to index
      %get3A_32 = arith.constant 0 : index
      %get3A_33 = vector.load %arg1[%get3A_31, %get3A_32] : memref<4096x768xf32, #tpu.memory_space<vmem>>, vector<1x768xf32>
      %swap3A_34 = arith.index_cast %scan3A_27 : i32 to index
      %swap3A_35 = arith.constant 0 : index
      %swap3A_36 = vector.load %arg14[%swap3A_34, %swap3A_35] : memref<128x768xf32, #tpu.memory_space<vmem>>, vector<1x768xf32>
      tpu.vector_store %arg14[%swap3A_34, %swap3A_35], %get3A_33 {strides = array<i32>} : memref<128x768xf32, #tpu.memory_space<vmem>>, vector<1x768xf32>,
      %scan3A_37 = arith.constant 3 : i32
      %get3A_38 = arith.index_cast %arg0 : i32 to index
      %get3A_39 = arith.index_cast %scan3A_37 : i32 to index
      %get3A_40 = memref.load %arg11[%get3A_38, %get3A_39] : memref<64x128xi32, #tpu.memory_space<smem>>
      %get3A_41 = arith.index_cast %get3A_40 : i32 to index
      %get3A_42 = arith.constant 0 : index
      %get3A_43 = vector.load %arg1[%get3A_41, %get3A_42] : memref<4096x768xf32, #tpu.memory_space<vmem>>, vector<1x768xf32>
      %swap3A_44 = arith.index_cast %scan3A_37 : i32 to index
      %swap3A_45 = arith.constant 0 : index
      %swap3A_46 = vector.load %arg14[%swap3A_44, %swap3A_45] : memref<128x768xf32, #tpu.memory_space<vmem>>, vector<1x768xf32>
      tpu.vector_store %arg14[%swap3A_44, %swap3A_45], %get3A_43 {strides = array<i32>} : memref<128x768xf32, #tpu.memory_space<vmem>>, vector<1x768xf32>,
      %scan3A_47 = arith.constant 4 : i32
      %get3A_48 = arith.index_cast %arg0 : i32 to index
      %get3A_49 = arith.index_cast %scan3A_47 : i32 to index
      %get3A_50 = memref.load %arg11[%get3A_48, %get3A_49] : memref<64x128xi32, #tpu.memory_space<smem>>
      %get3A_51 = arith.index_cast %get3A_50 : i32 to index
      %get3A_52 = arith.constant 0 : index
      %get3A_53 = vector.load %arg1[%get3A_51, %get3A_52] : memref<4096x768xf32, #tpu.memory_space<vmem>>, vector<1x768xf32>
      %swap3A_54 = arith.index_cast %scan3A_47 : i32 to index
      %swap3A_55 = arith.constant 0 : index
      %swap3A_56 = vector.load %arg14[%swap3A_54, %swap3A_55] : memref<128x768xf32, #tpu.memory_space<vmem>>, vector<1x768xf32>
      tpu.vector_store %arg14[%swap3A_54, %swap3A_55], %get3A_53 {strides = array<i32>} : memref<128x768xf32, #tpu.memory_space<vmem>>, vector<1x768xf32>,
      %scan3A_57 = arith.constant 5 : i32
      %get3A_58 = arith.index_cast %arg0 : i32 to index
      %get3A_59 = arith.index_cast %scan3A_57 : i32 to index
      %get3A_60 = memref.load %arg11[%get3A_58, %get3A_59] : memref<64x128xi32, #tpu.memory_space<smem>>
      %get3A_61 = arith.index_cast %get3A_60 : i32 to index
      %get3A_62 = arith.constant 0 : index
      %get3A_63 = vector.load %arg1[%get3A_61, %get3A_62] : memref<4096x768xf32, #tpu.memory_space<vmem>>, vector<1x768xf32>
      %swap3A_64 = arith.index_cast %scan3A_57 : i32 to index
      %swap3A_65 = arith.constant 0 : index
      %swap3A_66 = vector.load %arg14[%swap3A_64, %swap3A_65] : memref<128x768xf32, #tpu.memory_space<vmem>>, vector<1x768xf32>
      tpu.vector_store %arg14[%swap3A_64, %swap3A_65], %get3A_63 {strides = array<i32>} : memref<128x768xf32, #tpu.memory_space<vmem>>, vector<1x768xf32>,
      %scan3A_67 = arith.constant 6 : i32
      %get3A_68 = arith.index_cast %arg0 : i32 to index
      %get3A_69 = arith.index_cast %scan3A_67 : i32 to index
      %get3A_70 = memref.load %arg11[%get3A_68, %get3A_69] : memref<64x128xi32, #tpu.memory_space<smem>>
      %get3A_71 = arith.index_cast %get3A_70 : i32 to index
      %get3A_72 = arith.constant 0 : index
      %get3A_73 = vector.load %arg1[%get3A_71, %get3A_72] : memref<4096x768xf32, #tpu.memory_space<vmem>>, vector<1x768xf32>
      %swap3A_74 = arith.index_cast %scan3A_67 : i32 to index
      %swap3A_75 = arith.constant 0 : index
      %swap3A_76 = vector.load %arg14[%swap3A_74, %swap3A_75] : memref<128x768xf32, #tpu.memory_space<vmem>>, vector<1x768xf32>
      tpu.vector_store %arg14[%swap3A_74, %swap3A_75], %get3A_73 {strides = array<i32>} : memref<128x768xf32, #tpu.memory_space<vmem>>, vector<1x768xf32>,
      %scan3A_77 = arith.constant 7 : i32
      %get3A_78 = arith.index_cast %arg0 : i32 to index
      %get3A_79 = arith.index_cast %scan3A_77 : i32 to index
      %get3A_80 = memref.load %arg11[%get3A_78, %get3A_79] : memref<64x128xi32, #tpu.memory_space<smem>>
      %get3A_81 = arith.index_cast %get3A_80 : i32 to index
      %get3A_82 = arith.constant 0 : index
      %get3A_83 = vector.load %arg1[%get3A_81, %get3A_82] : memref<4096x768xf32, #tpu.memory_space<vmem>>, vector<1x768xf32>
      %swap3A_84 = arith.index_cast %scan3A_77 : i32 to index
      %swap3A_85 = arith.constant 0 : index
      %swap3A_86 = vector.load %arg14[%swap3A_84, %swap3A_85] : memref<128x768xf32, #tpu.memory_space<vmem>>, vector<1x768xf32>
      tpu.vector_store %arg14[%swap3A_84, %swap3A_85], %get3A_83 {strides = array<i32>} : memref<128x768xf32, #tpu.memory_space<vmem>>, vector<1x768xf32>,
      %scan3A_87 = arith.constant 8 : i32
      %get3A_88 = arith.index_cast %arg0 : i32 to index
      %get3A_89 = arith.index_cast %scan3A_87 : i32 to index
      %get3A_90 = memref.load %arg11[%get3A_88, %get3A_89] : memref<64x128xi32, #tpu.memory_space<smem>>
      %get3A_91 = arith.index_cast %get3A_90 : i32 to index
      %get3A_92 = arith.constant 0 : index
      %get3A_93 = vector.load %arg1[%get3A_91, %get3A_92] : memref<4096x768xf32, #tpu.memory_space<vmem>>, vector<1x768xf32>
      %swap3A_94 = arith.index_cast %scan3A_87 : i32 to index
      %swap3A_95 = arith.constant 0 : index
      %swap3A_96 = vector.load %arg14[%swap3A_94, %swap3A_95] : memref<128x768xf32, #tpu.memory_space<vmem>>, vector<1x768xf32>
      tpu.vector_store %arg14[%swap3A_94, %swap3A_95], %get3A_93 {strides = array<i32>} : memref<128x768xf32, #tpu.memory_space<vmem>>, vector<1x768xf32>,
      %scan3A_97 = arith.constant 9 : i32
      %get3A_98 = arith.index_cast %arg0 : i32 to index
      %get3A_99 = arith.index_cast %scan3A_97 : i32 to index
      %get3A_100 = memref.load %arg11[%get3A_98, %get3A_99] : memref<64x128xi32, #tpu.memory_space<smem>>
      %get3A_101 = arith.index_cast %get3A_100 : i32 to index
      %get3A_102 = arith.constant 0 : index
      %get3A_103 = vector.load %arg1[%get3A_101, %get3A_102] : memref<4096x768xf32, #tpu.memory_space<vmem>>, vector<1x768xf32>
      %swap3A_104 = arith.index_cast %scan3A_97 : i32 to index
      %swap3A_105 = arith.constant 0 : index
      %swap3A_106 = vector.load %arg14[%swap3A_104, %swap3A_105] : memref<128x768xf32, #tpu.memory_space<vmem>>, vector<1x768xf32>
      tpu.vector_store %arg14[%swap3A_104, %swap3A_105], %get3A_103 {strides = array<i32>} : memref<128x768xf32, #tpu.memory_space<vmem>>, vector<1x768xf32>,
      %scan3A_107 = arith.constant 10 : i32
      %get3A_108 = arith.index_cast %arg0 : i32 to index
      %get3A_109 = arith.index_cast %scan3A_107 : i32 to index
      %get3A_110 = memref.load %arg11[%get3A_108, %get3A_109] : memref<64x128xi32, #tpu.memory_space<smem>>
      %get3A_111 = arith.index_cast %get3A_110 : i32 to index
      %get3A_112 = arith.constant 0 : index
      %get3A_113 = vector.load %arg1[%get3A_111, %get3A_112] : memref<4096x768xf32, #tpu.memory_space<vmem>>, vector<1x768xf32>
      %swap3A_114 = arith.index_cast %scan3A_107 : i32 to index
      %swap3A_115 = arith.constant 0 : index
      %swap3A_116 = vector.load %arg14[%swap3A_114, %swap3A_115] : memref<128x768xf32, #tpu.memory_space<vmem>>, vector<1x768xf32>
      tpu.vector_store %arg14[%swap3A_114, %swap3A_115], %get3A_113 {strides = array<i32>} : memref<128x768xf32, #tpu.memory_space<vmem>>, vector<1x768xf32>,
      %scan3A_117 = arith.constant 11 : i32
      %get3A_118 = arith.index_cast %arg0 : i32 to index
      %get3A_119 = arith.index_cast %scan3A_117 : i32 to index
      %get3A_120 = memref.load %arg11[%get3A_118, %get3A_119] : memref<64x128xi32, #tpu.memory_space<smem>>
      %get3A_121 = arith.index_cast %get3A_120 : i32 to index
      %get3A_122 = arith.constant 0 : index
      %get3A_123 = vector.load %arg1[%get3A_121, %get3A_122] : memref<4096x768xf32, #tpu.memory_space<vmem>>, vector<1x768xf32>
      %swap3A_124 = arith.index_cast %scan3A_117 : i32 to index
      %swap3A_125 = arith.constant 0 : index
      %swap3A_126 = vector.load %arg14[%swap3A_124, %swap3A_125] : memref<128x768xf32, #tpu.memory_space<vmem>>, vector<1x768xf32>
      tpu.vector_store %arg14[%swap3A_124, %swap3A_125], %get3A_123 {strides = array<i32>} : memref<128x768xf32, #tpu.memory_space<vmem>>, vector<1x768xf32>,
      %scan3A_127 = arith.constant 12 : i32
      %get3A_128 = arith.index_cast %arg0 : i32 to index
      %get3A_129 = arith.index_cast %scan3A_127 : i32 to index
      %get3A_130 = memref.load %arg11[%get3A_128, %get3A_129] : memref<64x128xi32, #tpu.memory_space<smem>>
      %get3A_131 = arith.index_cast %get3A_130 : i32 to index
      %get3A_132 = arith.constant 0 : index
      %get3A_133 = vector.load %arg1[%get3A_131, %get3A_132] : memref<4096x768xf32, #tpu.memory_space<vmem>>, vector<1x768xf32>
      %swap3A_134 = arith.index_cast %scan3A_127 : i32 to index
      %swap3A_135 = arith.constant 0 : index
      %swap3A_136 = vector.load %arg14[%swap3A_134, %swap3A_135] : memref<128x768xf32, #tpu.memory_space<vmem>>, vector<1x768xf32>
      tpu.vector_store %arg14[%swap3A_134, %swap3A_135], %get3A_133 {strides = array<i32>} : memref<128x768xf32, #tpu.memory_space<vmem>>, vector<1x768xf32>,
      %scan3A_137 = arith.constant 13 : i32
      %get3A_138 = arith.index_cast %arg0 : i32 to index
      %get3A_139 = arith.index_cast %scan3A_137 : i32 to index
      %get3A_140 = memref.load %arg11[%get3A_138, %get3A_139] : memref<64x128xi32, #tpu.memory_space<smem>>
      %get3A_141 = arith.index_cast %get3A_140 : i32 to index
      %get3A_142 = arith.constant 0 : index
      %get3A_143 = vector.load %arg1[%get3A_141, %get3A_142] : memref<4096x768xf32, #tpu.memory_space<vmem>>, vector<1x768xf32>
      %swap3A_144 = arith.index_cast %scan3A_137 : i32 to index
      %swap3A_145 = arith.constant 0 : index
      %swap3A_146 = vector.load %arg14[%swap3A_144, %swap3A_145] : memref<128x768xf32, #tpu.memory_space<vmem>>, vector<1x768xf32>
      tpu.vector_store %arg14[%swap3A_144, %swap3A_145], %get3A_143 {strides = array<i32>} : memref<128x768xf32, #tpu.memory_space<vmem>>, vector<1x768xf32>,
      %scan3A_147 = arith.constant 14 : i32
      %get3A_148 = arith.index_cast %arg0 : i32 to index
      %get3A_149 = arith.index_cast %scan3A_147 : i32 to index
      %get3A_150 = memref.load %arg11[%get3A_148, %get3A_149] : memref<64x128xi32, #tpu.memory_space<smem>>
      %get3A_151 = arith.index_cast %get3A_150 : i32 to index
      %get3A_152 = arith.constant 0 : index
      %get3A_153 = vector.load %arg1[%get3A_151, %get3A_152] : memref<4096x768xf32, #tpu.memory_space<vmem>>, vector<1x768xf32>
      %swap3A_154 = arith.index_cast %scan3A_147 : i32 to index
      %swap3A_155 = arith.constant 0 : index
      %swap3A_156 = vector.load %arg14[%swap3A_154, %swap3A_155] : memref<128x768xf32, #tpu.memory_space<vmem>>, vector<1x768xf32>
      tpu.vector_store %arg14[%swap3A_154, %swap3A_155], %get3A_153 {strides = array<i32>} : memref<128x768xf32, #tpu.memory_space<vmem>>, vector<1x768xf32>,
      %scan3A_157 = arith.constant 15 : i32
      %get3A_158 = arith.index_cast %arg0 : i32 to index
      %get3A_159 = arith.index_cast %scan3A_157 : i32 to index
      %get3A_160 = memref.load %arg11[%get3A_158, %get3A_159] : memref<64x128xi32, #tpu.memory_space<smem>>
      %get3A_161 = arith.index_cast %get3A_160 : i32 to index
      %get3A_162 = arith.constant 0 : index
      %get3A_163 = vector.load %arg1[%get3A_161, %get3A_162] : memref<4096x768xf32, #tpu.memory_space<vmem>>, vector<1x768xf32>
      %swap3A_164 = arith.index_cast %scan3A_157 : i32 to index
      %swap3A_165 = arith.constant 0 : index
      %swap3A_166 = vector.load %arg14[%swap3A_164, %swap3A_165] : memref<128x768xf32, #tpu.memory_space<vmem>>, vector<1x768xf32>
      tpu.vector_store %arg14[%swap3A_164, %swap3A_165], %get3A_163 {strides = array<i32>} : memref<128x768xf32, #tpu.memory_space<vmem>>, vector<1x768xf32>,
      %scan3A_167 = arith.constant 16 : i32
      %get3A_168 = arith.index_cast %arg0 : i32 to index
      %get3A_169 = arith.index_cast %scan3A_167 : i32 to index
      %get3A_170 = memref.load %arg11[%get3A_168, %get3A_169] : memref<64x128xi32, #tpu.memory_space<smem>>
      %get3A_171 = arith.index_cast %get3A_170 : i32 to index
      %get3A_172 = arith.constant 0 : index
      %get3A_173 = vector.load %arg1[%get3A_171, %get3A_172] : memref<4096x768xf32, #tpu.memory_space<vmem>>, vector<1x768xf32>
      %swap3A_174 = arith.index_cast %scan3A_167 : i32 to index
      %swap3A_175 = arith.constant 0 : index
      %swap3A_176 = vector.load %arg14[%swap3A_174, %swap3A_175] : memref<128x768xf32, #tpu.memory_space<vmem>>, vector<1x768xf32>
      tpu.vector_store %arg14[%swap3A_174, %swap3A_175], %get3A_173 {strides = array<i32>} : memref<128x768xf32, #tpu.memory_space<vmem>>, vector<1x768xf32>,
      %scan3A_177 = arith.constant 17 : i32
      %get3A_178 = arith.index_cast %arg0 : i32 to index
      %get3A_179 = arith.index_cast %scan3A_177 : i32 to index
      %get3A_180 = memref.load %arg11[%get3A_178, %get3A_179] : memref<64x128xi32, #tpu.memory_space<smem>>
      %get3A_181 = arith.index_cast %get3A_180 : i32 to index
      %get3A_182 = arith.constant 0 : index
      %get3A_183 = vector.load %arg1[%get3A_181, %get3A_182] : memref<4096x768xf32, #tpu.memory_space<vmem>>, vector<1x768xf32>
      %swap3A_184 = arith.index_cast %scan3A_177 : i32 to index
      %swap3A_185 = arith.constant 0 : index
      %swap3A_186 = vector.load %arg14[%swap3A_184, %swap3A_185] : memref<128x768xf32, #tpu.memory_space<vmem>>, vector<1x768xf32>
      tpu.vector_store %arg14[%swap3A_184, %swap3A_185], %get3A_183 {strides = array<i32>} : memref<128x768xf32, #tpu.memory_space<vmem>>, vector<1x768xf32>,
      %scan3A_187 = arith.constant 18 : i32
      %get3A_188 = arith.index_cast %arg0 : i32 to index
      %get3A_189 = arith.index_cast %scan3A_187 : i32 to index
      %get3A_190 = memref.load %arg11[%get3A_188, %get3A_189] : memref<64x128xi32, #tpu.memory_space<smem>>
      %get3A_191 = arith.index_cast %get3A_190 : i32 to index
      %get3A_192 = arith.constant 0 : index
      %get3A_193 = vector.load %arg1[%get3A_191, %get3A_192] : memref<4096x768xf32, #tpu.memory_space<vmem>>, vector<1x768xf32>
      %swap3A_194 = arith.index_cast %scan3A_187 : i32 to index
      %swap3A_195 = arith.constant 0 : index
      %swap3A_196 = vector.load %arg14[%swap3A_194, %swap3A_195] : memref<128x768xf32, #tpu.memory_space<vmem>>, vector<1x768xf32>
      tpu.vector_store %arg14[%swap3A_194, %swap3A_195], %get3A_193 {strides = array<i32>} : memref<128x768xf32, #tpu.memory_space<vmem>>, vector<1x768xf32>,
      %scan3A_197 = arith.constant 19 : i32
      %get3A_198 = arith.index_cast %arg0 : i32 to index
      %get3A_199 = arith.index_cast %scan3A_197 : i32 to index
      %get3A_200 = memref.load %arg11[%get3A_198, %get3A_199] : memref<64x128xi32, #tpu.memory_space<smem>>
      %get3A_201 = arith.index_cast %get3A_200 : i32 to index
      %get3A_202 = arith.constant 0 : index
      %get3A_203 = vector.load %arg1[%get3A_201, %get3A_202] : memref<4096x768xf32, #tpu.memory_space<vmem>>, vector<1x768xf32>
      %swap3A_204 = arith.index_cast %scan3A_197 : i32 to index
      %swap3A_205 = arith.constant 0 : index
      %swap3A_206 = vector.load %arg14[%swap3A_204, %swap3A_205] : memref<128x768xf32, #tpu.memory_space<vmem>>, vector<1x768xf32>
      tpu.vector_store %arg14[%swap3A_204, %swap3A_205], %get3A_203 {strides = array<i32>} : memref<128x768xf32, #tpu.memory_space<vmem>>, vector<1x768xf32>,
      %scan3A_207 = arith.constant 20 : i32
      %get3A_208 = arith.index_cast %arg0 : i32 to index
      %get3A_209 = arith.index_cast %scan3A_207 : i32 to index
      %get3A_210 = memref.load %arg11[%get3A_208, %get3A_209] : memref<64x128xi32, #tpu.memory_space<smem>>
      %get3A_211 = arith.index_cast %get3A_210 : i32 to index
      %get3A_212 = arith.constant 0 : index
      %get3A_213 = vector.load %arg1[%get3A_211, %get3A_212] : memref<4096x768xf32, #tpu.memory_space<vmem>>, vector<1x768xf32>
      %swap3A_214 = arith.index_cast %scan3A_207 : i32 to index
      %swap3A_215 = arith.constant 0 : index
      %swap3A_216 = vector.load %arg14[%swap3A_214, %swap3A_215] : memref<128x768xf32, #tpu.memory_space<vmem>>, vector<1x768xf32>
      tpu.vector_store %arg14[%swap3A_214, %swap3A_215], %get3A_213 {strides = array<i32>} : memref<128x768xf32, #tpu.memory_space<vmem>>, vector<1x768xf32>,
      %scan3A_217 = arith.constant 21 : i32
      %get3A_218 = arith.index_cast %arg0 : i32 to index
      %get3A_219 = arith.index_cast %scan3A_217 : i32 to index
      %get3A_220 = memref.load %arg11[%get3A_218, %get3A_219] : memref<64x128xi32, #tpu.memory_space<smem>>
      %get3A_221 = arith.index_cast %get3A_220 : i32 to index
      %get3A_222 = arith.constant 0 : index
      %get3A_223 = vector.load %arg1[%get3A_221, %get3A_222] : memref<4096x768xf32, #tpu.memory_space<vmem>>, vector<1x768xf32>
      %swap3A_224 = arith.index_cast %scan3A_217 : i32 to index
      %swap3A_225 = arith.constant 0 : index
      %swap3A_226 = vector.load %arg14[%swap3A_224, %swap3A_225] : memref<128x768xf32, #tpu.memory_space<vmem>>, vector<1x768xf32>
      tpu.vector_store %arg14[%swap3A_224, %swap3A_225], %get3A_223 {strides = array<i32>} : memref<128x768xf32, #tpu.memory_space<vmem>>, vector<1x768xf32>,
      %scan3A_227 = arith.constant 22 : i32
      %get3A_228 = arith.index_cast %arg0 : i32 to index
      %get3A_229 = arith.index_cast %scan3A_227 : i32 to index
      %get3A_230 = memref.load %arg11[%get3A_228, %get3A_229] : memref<64x128xi32, #tpu.memory_space<smem>>
      %get3A_231 = arith.index_cast %get3A_230 : i32 to index
      %get3A_232 = arith.constant 0 : index
      %get3A_233 = vector.load %arg1[%get3A_231, %get3A_232] : memref<4096x768xf32, #tpu.memory_space<vmem>>, vector<1x768xf32>
      %swap3A_234 = arith.index_cast %scan3A_227 : i32 to index
      %swap3A_235 = arith.constant 0 : index
      %swap3A_236 = vector.load %arg14[%swap3A_234, %swap3A_235] : memref<128x768xf32, #tpu.memory_space<vmem>>, vector<1x768xf32>
      tpu.vector_store %arg14[%swap3A_234, %swap3A_235], %get3A_233 {strides = array<i32>} : memref<128x768xf32, #tpu.memory_space<vmem>>, vector<1x768xf32>,
      %scan3A_237 = arith.constant 23 : i32
      %get3A_238 = arith.index_cast %arg0 : i32 to index
      %get3A_239 = arith.index_cast %scan3A_237 : i32 to index
      %get3A_240 = memref.load %arg11[%get3A_238, %get3A_239] : memref<64x128xi32, #tpu.memory_space<smem>>
      %get3A_241 = arith.index_cast %get3A_240 : i32 to index
      %get3A_242 = arith.constant 0 : index
      %get3A_243 = vector.load %arg1[%get3A_241, %get3A_242] : memref<4096x768xf32, #tpu.memory_space<vmem>>, vector<1x768xf32>
      %swap3A_244 = arith.index_cast %scan3A_237 : i32 to index
      %swap3A_245 = arith.constant 0 : index
      %swap3A_246 = vector.load %arg14[%swap3A_244, %swap3A_245] : memref<128x768xf32, #tpu.memory_space<vmem>>, vector<1x768xf32>
      tpu.vector_store %arg14[%swap3A_244, %swap3A_245], %get3A_243 {strides = array<i32>} : memref<128x768xf32, #tpu.memory_space<vmem>>, vector<1x768xf32>,
      %scan3A_247 = arith.constant 24 : i32
      %get3A_248 = arith.index_cast %arg0 : i32 to index
      %get3A_249 = arith.index_cast %scan3A_247 : i32 to index
      %get3A_250 = memref.load %arg11[%get3A_248, %get3A_249] : memref<64x128xi32, #tpu.memory_space<smem>>
      %get3A_251 = arith.index_cast %get3A_250 : i32 to index
      %get3A_252 = arith.constant 0 : index
      %get3A_253 = vector.load %arg1[%get3A_251, %get3A_252] : memref<4096x768xf32, #tpu.memory_space<vmem>>, vector<1x768xf32>
      %swap3A_254 = arith.index_cast %scan3A_247 : i32 to index
      %swap3A_255 = arith.constant 0 : index
      %swap3A_256 = vector.load %arg14[%swap3A_254, %swap3A_255] : memref<128x768xf32, #tpu.memory_space<vmem>>, vector<1x768xf32>
      tpu.vector_store %arg14[%swap3A_254, %swap3A_255], %get3A_253 {strides = array<i32>} : memref<128x768xf32, #tpu.memory_space<vmem>>, vector<1x768xf32>,
      %scan3A_257 = arith.constant 25 : i32
      %get3A_258 = arith.index_cast %arg0 : i32 to index
      %get3A_259 = arith.index_cast %scan3A_257 : i32 to index
      %get3A_260 = memref.load %arg11[%get3A_258, %get3A_259] : memref<64x128xi32, #tpu.memory_space<smem>>
      %get3A_261 = arith.index_cast %get3A_260 : i32 to index
      %get3A_262 = arith.constant 0 : index
      %get3A_263 = vector.load %arg1[%get3A_261, %get3A_262] : memref<4096x768xf32, #tpu.memory_space<vmem>>, vector<1x768xf32>
      %swap3A_264 = arith.index_cast %scan3A_257 : i32 to index
      %swap3A_265 = arith.constant 0 : index
      %swap3A_266 = vector.load %arg14[%swap3A_264, %swap3A_265] : memref<128x768xf32, #tpu.memory_space<vmem>>, vector<1x768xf32>
      tpu.vector_store %arg14[%swap3A_264, %swap3A_265], %get3A_263 {strides = array<i32>} : memref<128x768xf32, #tpu.memory_space<vmem>>, vector<1x768xf32>,
      %scan3A_267 = arith.constant 26 : i32
      %get3A_268 = arith.index_cast %arg0 : i32 to index
      %get3A_269 = arith.index_cast %scan3A_267 : i32 to index
      %get3A_270 = memref.load %arg11[%get3A_268, %get3A_269] : memref<64x128xi32, #tpu.memory_space<smem>>
      %get3A_271 = arith.index_cast %get3A_270 : i32 to index
      %get3A_272 = arith.constant 0 : index
      %get3A_273 = vector.load %arg1[%get3A_271, %get3A_272] : memref<4096x768xf32, #tpu.memory_space<vmem>>, vector<1x768xf32>
      %swap3A_274 = arith.index_cast %scan3A_267 : i32 to index
      %swap3A_275 = arith.constant 0 : index
      %swap3A_276 = vector.load %arg14[%swap3A_274, %swap3A_275] : memref<128x768xf32, #tpu.memory_space<vmem>>, vector<1x768xf32>
      tpu.vector_store %arg14[%swap3A_274, %swap3A_275], %get3A_273 {strides = array<i32>} : memref<128x768xf32, #tpu.memory_space<vmem>>, vector<1x768xf32>,
      %scan3A_277 = arith.constant 27 : i32
      %get3A_278 = arith.index_cast %arg0 : i32 to index
      %get3A_279 = arith.index_cast %scan3A_277 : i32 to index
      %get3A_280 = memref.load %arg11[%get3A_278, %get3A_279] : memref<64x128xi32, #tpu.memory_space<smem>>
      %get3A_281 = arith.index_cast %get3A_280 : i32 to index
      %get3A_282 = arith.constant 0 : index
      %get3A_283 = vector.load %arg1[%get3A_281, %get3A_282] : memref<4096x768xf32, #tpu.memory_space<vmem>>, vector<1x768xf32>
      %swap3A_284 = arith.index_cast %scan3A_277 : i32 to index
      %swap3A_285 = arith.constant 0 : index
      %swap3A_286 = vector.load %arg14[%swap3A_284, %swap3A_285] : memref<128x768xf32, #tpu.memory_space<vmem>>, vector<1x768xf32>
      tpu.vector_store %arg14[%swap3A_284, %swap3A_285], %get3A_283 {strides = array<i32>} : memref<128x768xf32, #tpu.memory_space<vmem>>, vector<1x768xf32>,
      %scan3A_287 = arith.constant 28 : i32
      %get3A_288 = arith.index_cast %arg0 : i32 to index
      %get3A_289 = arith.index_cast %scan3A_287 : i32 to index
      %get3A_290 = memref.load %arg11[%get3A_288, %get3A_289] : memref<64x128xi32, #tpu.memory_space<smem>>
      %get3A_291 = arith.index_cast %get3A_290 : i32 to index
      %get3A_292 = arith.constant 0 : index
      %get3A_293 = vector.load %arg1[%get3A_291, %get3A_292] : memref<4096x768xf32, #tpu.memory_space<vmem>>, vector<1x768xf32>
      %swap3A_294 = arith.index_cast %scan3A_287 : i32 to index
      %swap3A_295 = arith.constant 0 : index
      %swap3A_296 = vector.load %arg14[%swap3A_294, %swap3A_295] : memref<128x768xf32, #tpu.memory_space<vmem>>, vector<1x768xf32>
      tpu.vector_store %arg14[%swap3A_294, %swap3A_295], %get3A_293 {strides = array<i32>} : memref<128x768xf32, #tpu.memory_space<vmem>>, vector<1x768xf32>,
      %scan3A_297 = arith.constant 29 : i32
      %get3A_298 = arith.index_cast %arg0 : i32 to index
      %get3A_299 = arith.index_cast %scan3A_297 : i32 to index
      %get3A_300 = memref.load %arg11[%get3A_298, %get3A_299] : memref<64x128xi32, #tpu.memory_space<smem>>
      %get3A_301 = arith.index_cast %get3A_300 : i32 to index
      %get3A_302 = arith.constant 0 : index
      %get3A_303 = vector.load %arg1[%get3A_301, %get3A_302] : memref<4096x768xf32, #tpu.memory_space<vmem>>, vector<1x768xf32>
      %swap3A_304 = arith.index_cast %scan3A_297 : i32 to index
      %swap3A_305 = arith.constant 0 : index
      %swap3A_306 = vector.load %arg14[%swap3A_304, %swap3A_305] : memref<128x768xf32, #tpu.memory_space<vmem>>, vector<1x768xf32>
      tpu.vector_store %arg14[%swap3A_304, %swap3A_305], %get3A_303 {strides = array<i32>} : memref<128x768xf32, #tpu.memory_space<vmem>>, vector<1x768xf32>,
      %scan3A_307 = arith.constant 30 : i32
      %get3A_308 = arith.index_cast %arg0 : i32 to index
      %get3A_309 = arith.index_cast %scan3A_307 : i32 to index
      %get3A_310 = memref.load %arg11[%get3A_308, %get3A_309] : memref<64x128xi32, #tpu.memory_space<smem>>
      %get3A_311 = arith.index_cast %get3A_310 : i32 to index
      %get3A_312 = arith.constant 0 : index
      %get3A_313 = vector.load %arg1[%get3A_311, %get3A_312] : memref<4096x768xf32, #tpu.memory_space<vmem>>, vector<1x768xf32>
      %swap3A_314 = arith.index_cast %scan3A_307 : i32 to index
      %swap3A_315 = arith.constant 0 : index
      %swap3A_316 = vector.load %arg14[%swap3A_314, %swap3A_315] : memref<128x768xf32, #tpu.memory_space<vmem>>, vector<1x768xf32>
      tpu.vector_store %arg14[%swap3A_314, %swap3A_315], %get3A_313 {strides = array<i32>} : memref<128x768xf32, #tpu.memory_space<vmem>>, vector<1x768xf32>,
      %scan3A_317 = arith.constant 31 : i32
      %get3A_318 = arith.index_cast %arg0 : i32 to index
      %get3A_319 = arith.index_cast %scan3A_317 : i32 to index
      %get3A_320 = memref.load %arg11[%get3A_318, %get3A_319] : memref<64x128xi32, #tpu.memory_space<smem>>
      %get3A_321 = arith.index_cast %get3A_320 : i32 to index
      %get3A_322 = arith.constant 0 : index
      %get3A_323 = vector.load %arg1[%get3A_321, %get3A_322] : memref<4096x768xf32, #tpu.memory_space<vmem>>, vector<1x768xf32>
      %swap3A_324 = arith.index_cast %scan3A_317 : i32 to index
      %swap3A_325 = arith.constant 0 : index
      %swap3A_326 = vector.load %arg14[%swap3A_324, %swap3A_325] : memref<128x768xf32, #tpu.memory_space<vmem>>, vector<1x768xf32>
      tpu.vector_store %arg14[%swap3A_324, %swap3A_325], %get3A_323 {strides = array<i32>} : memref<128x768xf32, #tpu.memory_space<vmem>>, vector<1x768xf32>,
      %scan3A_327 = arith.constant 32 : i32
      %get3A_328 = arith.index_cast %arg0 : i32 to index
      %get3A_329 = arith.index_cast %scan3A_327 : i32 to index
      %get3A_330 = memref.load %arg11[%get3A_328, %get3A_329] : memref<64x128xi32, #tpu.memory_space<smem>>
      %get3A_331 = arith.index_cast %get3A_330 : i32 to index
      %get3A_332 = arith.constant 0 : index
      %get3A_333 = vector.load %arg1[%get3A_331, %get3A_332] : memref<4096x768xf32, #tpu.memory_space<vmem>>, vector<1x768xf32>
      %swap3A_334 = arith.index_cast %scan3A_327 : i32 to index
      %swap3A_335 = arith.constant 0 : index
      %swap3A_336 = vector.load %arg14[%swap3A_334, %swap3A_335] : memref<128x768xf32, #tpu.memory_space<vmem>>, vector<1x768xf32>
      tpu.vector_store %arg14[%swap3A_334, %swap3A_335], %get3A_333 {strides = array<i32>} : memref<128x768xf32, #tpu.memory_space<vmem>>, vector<1x768xf32>,
      %scan3A_337 = arith.constant 33 : i32
      %get3A_338 = arith.index_cast %arg0 : i32 to index
      %get3A_339 = arith.index_cast %scan3A_337 : i32 to index
      %get3A_340 = memref.load %arg11[%get3A_338, %get3A_339] : memref<64x128xi32, #tpu.memory_space<smem>>
      %get3A_341 = arith.index_cast %get3A_340 : i32 to index
      %get3A_342 = arith.constant 0 : index
      %get3A_343 = vector.load %arg1[%get3A_341, %get3A_342] : memref<4096x768xf32, #tpu.memory_space<vmem>>, vector<1x768xf32>
      %swap3A_344 = arith.index_cast %scan3A_337 : i32 to index
      %swap3A_345 = arith.constant 0 : index
      %swap3A_346 = vector.load %arg14[%swap3A_344, %swap3A_345] : memref<128x768xf32, #tpu.memory_space<vmem>>, vector<1x768xf32>
      tpu.vector_store %arg14[%swap3A_344, %swap3A_345], %get3A_343 {strides = array<i32>} : memref<128x768xf32, #tpu.memory_space<vmem>>, vector<1x768xf32>,
      %scan3A_347 = arith.constant 34 : i32
      %get3A_348 = arith.index_cast %arg0 : i32 to index
      %get3A_349 = arith.index_cast %scan3A_347 : i32 to index
      %get3A_350 = memref.load %arg11[%get3A_348, %get3A_349] : memref<64x128xi32, #tpu.memory_space<smem>>
      %get3A_351 = arith.index_cast %get3A_350 : i32 to index
      %get3A_352 = arith.constant 0 : index
      %get3A_353 = vector.load %arg1[%get3A_351, %get3A_352] : memref<4096x768xf32, #tpu.memory_space<vmem>>, vector<1x768xf32>
      %swap3A_354 = arith.index_cast %scan3A_347 : i32 to index
      %swap3A_355 = arith.constant 0 : index
      %swap3A_356 = vector.load %arg14[%swap3A_354, %swap3A_355] : memref<128x768xf32, #tpu.memory_space<vmem>>, vector<1x768xf32>
      tpu.vector_store %arg14[%swap3A_354, %swap3A_355], %get3A_353 {strides = array<i32>} : memref<128x768xf32, #tpu.memory_space<vmem>>, vector<1x768xf32>,
      %scan3A_357 = arith.constant 35 : i32
      %get3A_358 = arith.index_cast %arg0 : i32 to index
      %get3A_359 = arith.index_cast %scan3A_357 : i32 to index
      %get3A_360 = memref.load %arg11[%get3A_358, %get3A_359] : memref<64x128xi32, #tpu.memory_space<smem>>
      %get3A_361 = arith.index_cast %get3A_360 : i32 to index
      %get3A_362 = arith.constant 0 : index
      %get3A_363 = vector.load %arg1[%get3A_361, %get3A_362] : memref<4096x768xf32, #tpu.memory_space<vmem>>, vector<1x768xf32>
      %swap3A_364 = arith.index_cast %scan3A_357 : i32 to index
      %swap3A_365 = arith.constant 0 : index
      %swap3A_366 = vector.load %arg14[%swap3A_364, %swap3A_365] : memref<128x768xf32, #tpu.memory_space<vmem>>, vector<1x768xf32>
      tpu.vector_store %arg14[%swap3A_364, %swap3A_365], %get3A_363 {strides = array<i32>} : memref<128x768xf32, #tpu.memory_space<vmem>>, vector<1x768xf32>,
      %scan3A_367 = arith.constant 36 : i32
      %get3A_368 = arith.index_cast %arg0 : i32 to index
      %get3A_369 = arith.index_cast %scan3A_367 : i32 to index
      %get3A_370 = memref.load %arg11[%get3A_368, %get3A_369] : memref<64x128xi32, #tpu.memory_space<smem>>
      %get3A_371 = arith.index_cast %get3A_370 : i32 to index
      %get3A_372 = arith.constant 0 : index
      %get3A_373 = vector.load %arg1[%get3A_371, %get3A_372] : memref<4096x768xf32, #tpu.memory_space<vmem>>, vector<1x768xf32>
      %swap3A_374 = arith.index_cast %scan3A_367 : i32 to index
      %swap3A_375 = arith.constant 0 : index
      %swap3A_376 = vector.load %arg14[%swap3A_374, %swap3A_375] : memref<128x768xf32, #tpu.memory_space<vmem>>, vector<1x768xf32>
      tpu.vector_store %arg14[%swap3A_374, %swap3A_375], %get3A_373 {strides = array<i32>} : memref<128x768xf32, #tpu.memory_space<vmem>>, vector<1x768xf32>,
      %scan3A_377 = arith.constant 37 : i32
      %get3A_378 = arith.index_cast %arg0 : i32 to index
      %get3A_379 = arith.index_cast %scan3A_377 : i32 to index
      %get3A_380 = memref.load %arg11[%get3A_378, %get3A_379] : memref<64x128xi32, #tpu.memory_space<smem>>
      %get3A_381 = arith.index_cast %get3A_380 : i32 to index
      %get3A_382 = arith.constant 0 : index
      %get3A_383 = vector.load %arg1[%get3A_381, %get3A_382] : memref<4096x768xf32, #tpu.memory_space<vmem>>, vector<1x768xf32>
      %swap3A_384 = arith.index_cast %scan3A_377 : i32 to index
      %swap3A_385 = arith.constant 0 : index
      %swap3A_386 = vector.load %arg14[%swap3A_384, %swap3A_385] : memref<128x768xf32, #tpu.memory_space<vmem>>, vector<1x768xf32>
      tpu.vector_store %arg14[%swap3A_384, %swap3A_385], %get3A_383 {strides = array<i32>} : memref<128x768xf32, #tpu.memory_space<vmem>>, vector<1x768xf32>,
      %scan3A_387 = arith.constant 38 : i32
      %get3A_388 = arith.index_cast %arg0 : i32 to index
      %get3A_389 = arith.index_cast %scan3A_387 : i32 to index
      %get3A_390 = memref.load %arg11[%get3A_388, %get3A_389] : memref<64x128xi32, #tpu.memory_space<smem>>
      %get3A_391 = arith.index_cast %get3A_390 : i32 to index
      %get3A_392 = arith.constant 0 : index
      %get3A_393 = vector.load %arg1[%get3A_391, %get3A_392] : memref<4096x768xf32, #tpu.memory_space<vmem>>, vector<1x768xf32>
      %swap3A_394 = arith.index_cast %scan3A_387 : i32 to index
      %swap3A_395 = arith.constant 0 : index
      %swap3A_396 = vector.load %arg14[%swap3A_394, %swap3A_395] : memref<128x768xf32, #tpu.memory_space<vmem>>, vector<1x768xf32>
      tpu.vector_store %arg14[%swap3A_394, %swap3A_395], %get3A_393 {strides = array<i32>} : memref<128x768xf32, #tpu.memory_space<vmem>>, vector<1x768xf32>,
      %scan3A_397 = arith.constant 39 : i32
      %get3A_398 = arith.index_cast %arg0 : i32 to index
      %get3A_399 = arith.index_cast %scan3A_397 : i32 to index
      %get3A_400 = memref.load %arg11[%get3A_398, %get3A_399] : memref<64x128xi32, #tpu.memory_space<smem>>
      %get3A_401 = arith.index_cast %get3A_400 : i32 to index
      %get3A_402 = arith.constant 0 : index
      %get3A_403 = vector.load %arg1[%get3A_401, %get3A_402] : memref<4096x768xf32, #tpu.memory_space<vmem>>, vector<1x768xf32>
      %swap3A_404 = arith.index_cast %scan3A_397 : i32 to index
      %swap3A_405 = arith.constant 0 : index
      %swap3A_406 = vector.load %arg14[%swap3A_404, %swap3A_405] : memref<128x768xf32, #tpu.memory_space<vmem>>, vector<1x768xf32>
      tpu.vector_store %arg14[%swap3A_404, %swap3A_405], %get3A_403 {strides = array<i32>} : memref<128x768xf32, #tpu.memory_space<vmem>>, vector<1x768xf32>,
      %scan3A_407 = arith.constant 40 : i32
      %get3A_408 = arith.index_cast %arg0 : i32 to index
      %get3A_409 = arith.index_cast %scan3A_407 : i32 to index
      %get3A_410 = memref.load %arg11[%get3A_408, %get3A_409] : memref<64x128xi32, #tpu.memory_space<smem>>
      %get3A_411 = arith.index_cast %get3A_410 : i32 to index
      %get3A_412 = arith.constant 0 : index
      %get3A_413 = vector.load %arg1[%get3A_411, %get3A_412] : memref<4096x768xf32, #tpu.memory_space<vmem>>, vector<1x768xf32>
      %swap3A_414 = arith.index_cast %scan3A_407 : i32 to index
      %swap3A_415 = arith.constant 0 : index
      %swap3A_416 = vector.load %arg14[%swap3A_414, %swap3A_415] : memref<128x768xf32, #tpu.memory_space<vmem>>, vector<1x768xf32>
      tpu.vector_store %arg14[%swap3A_414, %swap3A_415], %get3A_413 {strides = array<i32>} : memref<128x768xf32, #tpu.memory_space<vmem>>, vector<1x768xf32>,
      %scan3A_417 = arith.constant 41 : i32
      %get3A_418 = arith.index_cast %arg0 : i32 to index
      %get3A_419 = arith.index_cast %scan3A_417 : i32 to index
      %get3A_420 = memref.load %arg11[%get3A_418, %get3A_419] : memref<64x128xi32, #tpu.memory_space<smem>>
      %get3A_421 = arith.index_cast %get3A_420 : i32 to index
      %get3A_422 = arith.constant 0 : index
      %get3A_423 = vector.load %arg1[%get3A_421, %get3A_422] : memref<4096x768xf32, #tpu.memory_space<vmem>>, vector<1x768xf32>
      %swap3A_424 = arith.index_cast %scan3A_417 : i32 to index
      %swap3A_425 = arith.constant 0 : index
      %swap3A_426 = vector.load %arg14[%swap3A_424, %swap3A_425] : memref<128x768xf32, #tpu.memory_space<vmem>>, vector<1x768xf32>
      tpu.vector_store %arg14[%swap3A_424, %swap3A_425], %get3A_423 {strides = array<i32>} : memref<128x768xf32, #tpu.memory_space<vmem>>, vector<1x768xf32>,
      %scan3A_427 = arith.constant 42 : i32
      %get3A_428 = arith.index_cast %arg0 : i32 to index
      %get3A_429 = arith.index_cast %scan3A_427 : i32 to index
      %get3A_430 = memref.load %arg11[%get3A_428, %get3A_429] : memref<64x128xi32, #tpu.memory_space<smem>>
      %get3A_431 = arith.index_cast %get3A_430 : i32 to index
      %get3A_432 = arith.constant 0 : index
      %get3A_433 = vector.load %arg1[%get3A_431, %get3A_432] : memref<4096x768xf32, #tpu.memory_space<vmem>>, vector<1x768xf32>
      %swap3A_434 = arith.index_cast %scan3A_427 : i32 to index
      %swap3A_435 = arith.constant 0 : index
      %swap3A_436 = vector.load %arg14[%swap3A_434, %swap3A_435] : memref<128x768xf32, #tpu.memory_space<vmem>>, vector<1x768xf32>
      tpu.vector_store %arg14[%swap3A_434, %swap3A_435], %get3A_433 {strides = array<i32>} : memref<128x768xf32, #tpu.memory_space<vmem>>, vector<1x768xf32>,
      %scan3A_437 = arith.constant 43 : i32
      %get3A_438 = arith.index_cast %arg0 : i32 to index
      %get3A_439 = arith.index_cast %scan3A_437 : i32 to index
      %get3A_440 = memref.load %arg11[%get3A_438, %get3A_439] : memref<64x128xi32, #tpu.memory_space<smem>>
      %get3A_441 = arith.index_cast %get3A_440 : i32 to index
      %get3A_442 = arith.constant 0 : index
      %get3A_443 = vector.load %arg1[%get3A_441, %get3A_442] : memref<4096x768xf32, #tpu.memory_space<vmem>>, vector<1x768xf32>
      %swap3A_444 = arith.index_cast %scan3A_437 : i32 to index
      %swap3A_445 = arith.constant 0 : index
      %swap3A_446 = vector.load %arg14[%swap3A_444, %swap3A_445] : memref<128x768xf32, #tpu.memory_space<vmem>>, vector<1x768xf32>
      tpu.vector_store %arg14[%swap3A_444, %swap3A_445], %get3A_443 {strides = array<i32>} : memref<128x768xf32, #tpu.memory_space<vmem>>, vector<1x768xf32>,
      %scan3A_447 = arith.constant 44 : i32
      %get3A_448 = arith.index_cast %arg0 : i32 to index
      %get3A_449 = arith.index_cast %scan3A_447 : i32 to index
      %get3A_450 = memref.load %arg11[%get3A_448, %get3A_449] : memref<64x128xi32, #tpu.memory_space<smem>>
      %get3A_451 = arith.index_cast %get3A_450 : i32 to index
      %get3A_452 = arith.constant 0 : index
      %get3A_453 = vector.load %arg1[%get3A_451, %get3A_452] : memref<4096x768xf32, #tpu.memory_space<vmem>>, vector<1x768xf32>
      %swap3A_454 = arith.index_cast %scan3A_447 : i32 to index
      %swap3A_455 = arith.constant 0 : index
      %swap3A_456 = vector.load %arg14[%swap3A_454, %swap3A_455] : memref<128x768xf32, #tpu.memory_space<vmem>>, vector<1x768xf32>
      tpu.vector_store %arg14[%swap3A_454, %swap3A_455], %get3A_453 {strides = array<i32>} : memref<128x768xf32, #tpu.memory_space<vmem>>, vector<1x768xf32>,
      %scan3A_457 = arith.constant 45 : i32
      %get3A_458 = arith.index_cast %arg0 : i32 to index
      %get3A_459 = arith.index_cast %scan3A_457 : i32 to index
      %get3A_460 = memref.load %arg11[%get3A_458, %get3A_459] : memref<64x128xi32, #tpu.memory_space<smem>>
      %get3A_461 = arith.index_cast %get3A_460 : i32 to index
      %get3A_462 = arith.constant 0 : index
      %get3A_463 = vector.load %arg1[%get3A_461, %get3A_462] : memref<4096x768xf32, #tpu.memory_space<vmem>>, vector<1x768xf32>
      %swap3A_464 = arith.index_cast %scan3A_457 : i32 to index
      %swap3A_465 = arith.constant 0 : index
      %swap3A_466 = vector.load %arg14[%swap3A_464, %swap3A_465] : memref<128x768xf32, #tpu.memory_space<vmem>>, vector<1x768xf32>
      tpu.vector_store %arg14[%swap3A_464, %swap3A_465], %get3A_463 {strides = array<i32>} : memref<128x768xf32, #tpu.memory_space<vmem>>, vector<1x768xf32>,
      %scan3A_467 = arith.constant 46 : i32
      %get3A_468 = arith.index_cast %arg0 : i32 to index
      %get3A_469 = arith.index_cast %scan3A_467 : i32 to index
      %get3A_470 = memref.load %arg11[%get3A_468, %get3A_469] : memref<64x128xi32, #tpu.memory_space<smem>>
      %get3A_471 = arith.index_cast %get3A_470 : i32 to index
      %get3A_472 = arith.constant 0 : index
      %get3A_473 = vector.load %arg1[%get3A_471, %get3A_472] : memref<4096x768xf32, #tpu.memory_space<vmem>>, vector<1x768xf32>
      %swap3A_474 = arith.index_cast %scan3A_467 : i32 to index
      %swap3A_475 = arith.constant 0 : index
      %swap3A_476 = vector.load %arg14[%swap3A_474, %swap3A_475] : memref<128x768xf32, #tpu.memory_space<vmem>>, vector<1x768xf32>
      tpu.vector_store %arg14[%swap3A_474, %swap3A_475], %get3A_473 {strides = array<i32>} : memref<128x768xf32, #tpu.memory_space<vmem>>, vector<1x768xf32>,
      %scan3A_477 = arith.constant 47 : i32
      %get3A_478 = arith.index_cast %arg0 : i32 to index
      %get3A_479 = arith.index_cast %scan3A_477 : i32 to index
      %get3A_480 = memref.load %arg11[%get3A_478, %get3A_479] : memref<64x128xi32, #tpu.memory_space<smem>>
      %get3A_481 = arith.index_cast %get3A_480 : i32 to index
      %get3A_482 = arith.constant 0 : index
      %get3A_483 = vector.load %arg1[%get3A_481, %get3A_482] : memref<4096x768xf32, #tpu.memory_space<vmem>>, vector<1x768xf32>
      %swap3A_484 = arith.index_cast %scan3A_477 : i32 to index
      %swap3A_485 = arith.constant 0 : index
      %swap3A_486 = vector.load %arg14[%swap3A_484, %swap3A_485] : memref<128x768xf32, #tpu.memory_space<vmem>>, vector<1x768xf32>
      tpu.vector_store %arg14[%swap3A_484, %swap3A_485], %get3A_483 {strides = array<i32>} : memref<128x768xf32, #tpu.memory_space<vmem>>, vector<1x768xf32>,
      %scan3A_487 = arith.constant 48 : i32
      %get3A_488 = arith.index_cast %arg0 : i32 to index
      %get3A_489 = arith.index_cast %scan3A_487 : i32 to index
      %get3A_490 = memref.load %arg11[%get3A_488, %get3A_489] : memref<64x128xi32, #tpu.memory_space<smem>>
      %get3A_491 = arith.index_cast %get3A_490 : i32 to index
      %get3A_492 = arith.constant 0 : index
      %get3A_493 = vector.load %arg1[%get3A_491, %get3A_492] : memref<4096x768xf32, #tpu.memory_space<vmem>>, vector<1x768xf32>
      %swap3A_494 = arith.index_cast %scan3A_487 : i32 to index
      %swap3A_495 = arith.constant 0 : index
      %swap3A_496 = vector.load %arg14[%swap3A_494, %swap3A_495] : memref<128x768xf32, #tpu.memory_space<vmem>>, vector<1x768xf32>
      tpu.vector_store %arg14[%swap3A_494, %swap3A_495], %get3A_493 {strides = array<i32>} : memref<128x768xf32, #tpu.memory_space<vmem>>, vector<1x768xf32>,
      %scan3A_497 = arith.constant 49 : i32
      %get3A_498 = arith.index_cast %arg0 : i32 to index
      %get3A_499 = arith.index_cast %scan3A_497 : i32 to index
      %get3A_500 = memref.load %arg11[%get3A_498, %get3A_499] : memref<64x128xi32, #tpu.memory_space<smem>>
      %get3A_501 = arith.index_cast %get3A_500 : i32 to index
      %get3A_502 = arith.constant 0 : index
      %get3A_503 = vector.load %arg1[%get3A_501, %get3A_502] : memref<4096x768xf32, #tpu.memory_space<vmem>>, vector<1x768xf32>
      %swap3A_504 = arith.index_cast %scan3A_497 : i32 to index
      %swap3A_505 = arith.constant 0 : index
      %swap3A_506 = vector.load %arg14[%swap3A_504, %swap3A_505] : memref<128x768xf32, #tpu.memory_space<vmem>>, vector<1x768xf32>
      tpu.vector_store %arg14[%swap3A_504, %swap3A_505], %get3A_503 {strides = array<i32>} : memref<128x768xf32, #tpu.memory_space<vmem>>, vector<1x768xf32>,
      %scan3A_507 = arith.constant 50 : i32
      %get3A_508 = arith.index_cast %arg0 : i32 to index
      %get3A_509 = arith.index_cast %scan3A_507 : i32 to index
      %get3A_510 = memref.load %arg11[%get3A_508, %get3A_509] : memref<64x128xi32, #tpu.memory_space<smem>>
      %get3A_511 = arith.index_cast %get3A_510 : i32 to index
      %get3A_512 = arith.constant 0 : index
      %get3A_513 = vector.load %arg1[%get3A_511, %get3A_512] : memref<4096x768xf32, #tpu.memory_space<vmem>>, vector<1x768xf32>
      %swap3A_514 = arith.index_cast %scan3A_507 : i32 to index
      %swap3A_515 = arith.constant 0 : index
      %swap3A_516 = vector.load %arg14[%swap3A_514, %swap3A_515] : memref<128x768xf32, #tpu.memory_space<vmem>>, vector<1x768xf32>
      tpu.vector_store %arg14[%swap3A_514, %swap3A_515], %get3A_513 {strides = array<i32>} : memref<128x768xf32, #tpu.memory_space<vmem>>, vector<1x768xf32>,
      %scan3A_517 = arith.constant 51 : i32
      %get3A_518 = arith.index_cast %arg0 : i32 to index
      %get3A_519 = arith.index_cast %scan3A_517 : i32 to index
      %get3A_520 = memref.load %arg11[%get3A_518, %get3A_519] : memref<64x128xi32, #tpu.memory_space<smem>>
      %get3A_521 = arith.index_cast %get3A_520 : i32 to index
      %get3A_522 = arith.constant 0 : index
      %get3A_523 = vector.load %arg1[%get3A_521, %get3A_522] : memref<4096x768xf32, #tpu.memory_space<vmem>>, vector<1x768xf32>
      %swap3A_524 = arith.index_cast %scan3A_517 : i32 to index
      %swap3A_525 = arith.constant 0 : index
      %swap3A_526 = vector.load %arg14[%swap3A_524, %swap3A_525] : memref<128x768xf32, #tpu.memory_space<vmem>>, vector<1x768xf32>
      tpu.vector_store %arg14[%swap3A_524, %swap3A_525], %get3A_523 {strides = array<i32>} : memref<128x768xf32, #tpu.memory_space<vmem>>, vector<1x768xf32>,
      %scan3A_527 = arith.constant 52 : i32
      %get3A_528 = arith.index_cast %arg0 : i32 to index
      %get3A_529 = arith.index_cast %scan3A_527 : i32 to index
      %get3A_530 = memref.load %arg11[%get3A_528, %get3A_529] : memref<64x128xi32, #tpu.memory_space<smem>>
      %get3A_531 = arith.index_cast %get3A_530 : i32 to index
      %get3A_532 = arith.constant 0 : index
      %get3A_533 = vector.load %arg1[%get3A_531, %get3A_532] : memref<4096x768xf32, #tpu.memory_space<vmem>>, vector<1x768xf32>
      %swap3A_534 = arith.index_cast %scan3A_527 : i32 to index
      %swap3A_535 = arith.constant 0 : index
      %swap3A_536 = vector.load %arg14[%swap3A_534, %swap3A_535] : memref<128x768xf32, #tpu.memory_space<vmem>>, vector<1x768xf32>
      tpu.vector_store %arg14[%swap3A_534, %swap3A_535], %get3A_533 {strides = array<i32>} : memref<128x768xf32, #tpu.memory_space<vmem>>, vector<1x768xf32>,
      %scan3A_537 = arith.constant 53 : i32
      %get3A_538 = arith.index_cast %arg0 : i32 to index
      %get3A_539 = arith.index_cast %scan3A_537 : i32 to index
      %get3A_540 = memref.load %arg11[%get3A_538, %get3A_539] : memref<64x128xi32, #tpu.memory_space<smem>>
      %get3A_541 = arith.index_cast %get3A_540 : i32 to index
      %get3A_542 = arith.constant 0 : index
      %get3A_543 = vector.load %arg1[%get3A_541, %get3A_542] : memref<4096x768xf32, #tpu.memory_space<vmem>>, vector<1x768xf32>
      %swap3A_544 = arith.index_cast %scan3A_537 : i32 to index
      %swap3A_545 = arith.constant 0 : index
      %swap3A_546 = vector.load %arg14[%swap3A_544, %swap3A_545] : memref<128x768xf32, #tpu.memory_space<vmem>>, vector<1x768xf32>
      tpu.vector_store %arg14[%swap3A_544, %swap3A_545], %get3A_543 {strides = array<i32>} : memref<128x768xf32, #tpu.memory_space<vmem>>, vector<1x768xf32>,
      %scan3A_547 = arith.constant 54 : i32
      %get3A_548 = arith.index_cast %arg0 : i32 to index
      %get3A_549 = arith.index_cast %scan3A_547 : i32 to index
      %get3A_550 = memref.load %arg11[%get3A_548, %get3A_549] : memref<64x128xi32, #tpu.memory_space<smem>>
      %get3A_551 = arith.index_cast %get3A_550 : i32 to index
      %get3A_552 = arith.constant 0 : index
      %get3A_553 = vector.load %arg1[%get3A_551, %get3A_552] : memref<4096x768xf32, #tpu.memory_space<vmem>>, vector<1x768xf32>
      %swap3A_554 = arith.index_cast %scan3A_547 : i32 to index
      %swap3A_555 = arith.constant 0 : index
      %swap3A_556 = vector.load %arg14[%swap3A_554, %swap3A_555] : memref<128x768xf32, #tpu.memory_space<vmem>>, vector<1x768xf32>
      tpu.vector_store %arg14[%swap3A_554, %swap3A_555], %get3A_553 {strides = array<i32>} : memref<128x768xf32, #tpu.memory_space<vmem>>, vector<1x768xf32>,
      %scan3A_557 = arith.constant 55 : i32
      %get3A_558 = arith.index_cast %arg0 : i32 to index
      %get3A_559 = arith.index_cast %scan3A_557 : i32 to index
      %get3A_560 = memref.load %arg11[%get3A_558, %get3A_559] : memref<64x128xi32, #tpu.memory_space<smem>>
      %get3A_561 = arith.index_cast %get3A_560 : i32 to index
      %get3A_562 = arith.constant 0 : index
      %get3A_563 = vector.load %arg1[%get3A_561, %get3A_562] : memref<4096x768xf32, #tpu.memory_space<vmem>>, vector<1x768xf32>
      %swap3A_564 = arith.index_cast %scan3A_557 : i32 to index
      %swap3A_565 = arith.constant 0 : index
      %swap3A_566 = vector.load %arg14[%swap3A_564, %swap3A_565] : memref<128x768xf32, #tpu.memory_space<vmem>>, vector<1x768xf32>
      tpu.vector_store %arg14[%swap3A_564, %swap3A_565], %get3A_563 {strides = array<i32>} : memref<128x768xf32, #tpu.memory_space<vmem>>, vector<1x768xf32>,
      %scan3A_567 = arith.constant 56 : i32
      %get3A_568 = arith.index_cast %arg0 : i32 to index
      %get3A_569 = arith.index_cast %scan3A_567 : i32 to index
      %get3A_570 = memref.load %arg11[%get3A_568, %get3A_569] : memref<64x128xi32, #tpu.memory_space<smem>>
      %get3A_571 = arith.index_cast %get3A_570 : i32 to index
      %get3A_572 = arith.constant 0 : index
      %get3A_573 = vector.load %arg1[%get3A_571, %get3A_572] : memref<4096x768xf32, #tpu.memory_space<vmem>>, vector<1x768xf32>
      %swap3A_574 = arith.index_cast %scan3A_567 : i32 to index
      %swap3A_575 = arith.constant 0 : index
      %swap3A_576 = vector.load %arg14[%swap3A_574, %swap3A_575] : memref<128x768xf32, #tpu.memory_space<vmem>>, vector<1x768xf32>
      tpu.vector_store %arg14[%swap3A_574, %swap3A_575], %get3A_573 {strides = array<i32>} : memref<128x768xf32, #tpu.memory_space<vmem>>, vector<1x768xf32>,
      %scan3A_577 = arith.constant 57 : i32
      %get3A_578 = arith.index_cast %arg0 : i32 to index
      %get3A_579 = arith.index_cast %scan3A_577 : i32 to index
      %get3A_580 = memref.load %arg11[%get3A_578, %get3A_579] : memref<64x128xi32, #tpu.memory_space<smem>>
      %get3A_581 = arith.index_cast %get3A_580 : i32 to index
      %get3A_582 = arith.constant 0 : index
      %get3A_583 = vector.load %arg1[%get3A_581, %get3A_582] : memref<4096x768xf32, #tpu.memory_space<vmem>>, vector<1x768xf32>
      %swap3A_584 = arith.index_cast %scan3A_577 : i32 to index
      %swap3A_585 = arith.constant 0 : index
      %swap3A_586 = vector.load %arg14[%swap3A_584, %swap3A_585] : memref<128x768xf32, #tpu.memory_space<vmem>>, vector<1x768xf32>
      tpu.vector_store %arg14[%swap3A_584, %swap3A_585], %get3A_583 {strides = array<i32>} : memref<128x768xf32, #tpu.memory_space<vmem>>, vector<1x768xf32>,
      %scan3A_587 = arith.constant 58 : i32
      %get3A_588 = arith.index_cast %arg0 : i32 to index
      %get3A_589 = arith.index_cast %scan3A_587 : i32 to index
      %get3A_590 = memref.load %arg11[%get3A_588, %get3A_589] : memref<64x128xi32, #tpu.memory_space<smem>>
      %get3A_591 = arith.index_cast %get3A_590 : i32 to index
      %get3A_592 = arith.constant 0 : index
      %get3A_593 = vector.load %arg1[%get3A_591, %get3A_592] : memref<4096x768xf32, #tpu.memory_space<vmem>>, vector<1x768xf32>
      %swap3A_594 = arith.index_cast %scan3A_587 : i32 to index
      %swap3A_595 = arith.constant 0 : index
      %swap3A_596 = vector.load %arg14[%swap3A_594, %swap3A_595] : memref<128x768xf32, #tpu.memory_space<vmem>>, vector<1x768xf32>
      tpu.vector_store %arg14[%swap3A_594, %swap3A_595], %get3A_593 {strides = array<i32>} : memref<128x768xf32, #tpu.memory_space<vmem>>, vector<1x768xf32>,
      %scan3A_597 = arith.constant 59 : i32
      %get3A_598 = arith.index_cast %arg0 : i32 to index
      %get3A_599 = arith.index_cast %scan3A_597 : i32 to index
      %get3A_600 = memref.load %arg11[%get3A_598, %get3A_599] : memref<64x128xi32, #tpu.memory_space<smem>>
      %get3A_601 = arith.index_cast %get3A_600 : i32 to index
      %get3A_602 = arith.constant 0 : index
      %get3A_603 = vector.load %arg1[%get3A_601, %get3A_602] : memref<4096x768xf32, #tpu.memory_space<vmem>>, vector<1x768xf32>
      %swap3A_604 = arith.index_cast %scan3A_597 : i32 to index
      %swap3A_605 = arith.constant 0 : index
      %swap3A_606 = vector.load %arg14[%swap3A_604, %swap3A_605] : memref<128x768xf32, #tpu.memory_space<vmem>>, vector<1x768xf32>
      tpu.vector_store %arg14[%swap3A_604, %swap3A_605], %get3A_603 {strides = array<i32>} : memref<128x768xf32, #tpu.memory_space<vmem>>, vector<1x768xf32>,
      %scan3A_607 = arith.constant 60 : i32
      %get3A_608 = arith.index_cast %arg0 : i32 to index
      %get3A_609 = arith.index_cast %scan3A_607 : i32 to index
      %get3A_610 = memref.load %arg11[%get3A_608, %get3A_609] : memref<64x128xi32, #tpu.memory_space<smem>>
      %get3A_611 = arith.index_cast %get3A_610 : i32 to index
      %get3A_612 = arith.constant 0 : index
      %get3A_613 = vector.load %arg1[%get3A_611, %get3A_612] : memref<4096x768xf32, #tpu.memory_space<vmem>>, vector<1x768xf32>
      %swap3A_614 = arith.index_cast %scan3A_607 : i32 to index
      %swap3A_615 = arith.constant 0 : index
      %swap3A_616 = vector.load %arg14[%swap3A_614, %swap3A_615] : memref<128x768xf32, #tpu.memory_space<vmem>>, vector<1x768xf32>
      tpu.vector_store %arg14[%swap3A_614, %swap3A_615], %get3A_613 {strides = array<i32>} : memref<128x768xf32, #tpu.memory_space<vmem>>, vector<1x768xf32>,
      %scan3A_617 = arith.constant 61 : i32
      %get3A_618 = arith.index_cast %arg0 : i32 to index
      %get3A_619 = arith.index_cast %scan3A_617 : i32 to index
      %get3A_620 = memref.load %arg11[%get3A_618, %get3A_619] : memref<64x128xi32, #tpu.memory_space<smem>>
      %get3A_621 = arith.index_cast %get3A_620 : i32 to index
      %get3A_622 = arith.constant 0 : index
      %get3A_623 = vector.load %arg1[%get3A_621, %get3A_622] : memref<4096x768xf32, #tpu.memory_space<vmem>>, vector<1x768xf32>
      %swap3A_624 = arith.index_cast %scan3A_617 : i32 to index
      %swap3A_625 = arith.constant 0 : index
      %swap3A_626 = vector.load %arg14[%swap3A_624, %swap3A_625] : memref<128x768xf32, #tpu.memory_space<vmem>>, vector<1x768xf32>
      tpu.vector_store %arg14[%swap3A_624, %swap3A_625], %get3A_623 {strides = array<i32>} : memref<128x768xf32, #tpu.memory_space<vmem>>, vector<1x768xf32>,
      %scan3A_627 = arith.constant 62 : i32
      %get3A_628 = arith.index_cast %arg0 : i32 to index
      %get3A_629 = arith.index_cast %scan3A_627 : i32 to index
      %get3A_630 = memref.load %arg11[%get3A_628, %get3A_629] : memref<64x128xi32, #tpu.memory_space<smem>>
      %get3A_631 = arith.index_cast %get3A_630 : i32 to index
      %get3A_632 = arith.constant 0 : index
      %get3A_633 = vector.load %arg1[%get3A_631, %get3A_632] : memref<4096x768xf32, #tpu.memory_space<vmem>>, vector<1x768xf32>
      %swap3A_634 = arith.index_cast %scan3A_627 : i32 to index
      %swap3A_635 = arith.constant 0 : index
      %swap3A_636 = vector.load %arg14[%swap3A_634, %swap3A_635] : memref<128x768xf32, #tpu.memory_space<vmem>>, vector<1x768xf32>
      tpu.vector_store %arg14[%swap3A_634, %swap3A_635], %get3A_633 {strides = array<i32>} : memref<128x768xf32, #tpu.memory_space<vmem>>, vector<1x768xf32>,
      %scan3A_637 = arith.constant 63 : i32
      %get3A_638 = arith.index_cast %arg0 : i32 to index
      %get3A_639 = arith.index_cast %scan3A_637 : i32 to index
      %get3A_640 = memref.load %arg11[%get3A_638, %get3A_639] : memref<64x128xi32, #tpu.memory_space<smem>>
      %get3A_641 = arith.index_cast %get3A_640 : i32 to index
      %get3A_642 = arith.constant 0 : index
      %get3A_643 = vector.load %arg1[%get3A_641, %get3A_642] : memref<4096x768xf32, #tpu.memory_space<vmem>>, vector<1x768xf32>
      %swap3A_644 = arith.index_cast %scan3A_637 : i32 to index
      %swap3A_645 = arith.constant 0 : index
      %swap3A_646 = vector.load %arg14[%swap3A_644, %swap3A_645] : memref<128x768xf32, #tpu.memory_space<vmem>>, vector<1x768xf32>
      tpu.vector_store %arg14[%swap3A_644, %swap3A_645], %get3A_643 {strides = array<i32>} : memref<128x768xf32, #tpu.memory_space<vmem>>, vector<1x768xf32>,
      %scan3A_647 = arith.constant 64 : i32
      %get3A_648 = arith.index_cast %arg0 : i32 to index
      %get3A_649 = arith.index_cast %scan3A_647 : i32 to index
      %get3A_650 = memref.load %arg11[%get3A_648, %get3A_649] : memref<64x128xi32, #tpu.memory_space<smem>>
      %get3A_651 = arith.index_cast %get3A_650 : i32 to index
      %get3A_652 = arith.constant 0 : index
      %get3A_653 = vector.load %arg1[%get3A_651, %get3A_652] : memref<4096x768xf32, #tpu.memory_space<vmem>>, vector<1x768xf32>
      %swap3A_654 = arith.index_cast %scan3A_647 : i32 to index
      %swap3A_655 = arith.constant 0 : index
      %swap3A_656 = vector.load %arg14[%swap3A_654, %swap3A_655] : memref<128x768xf32, #tpu.memory_space<vmem>>, vector<1x768xf32>
      tpu.vector_store %arg14[%swap3A_654, %swap3A_655], %get3A_653 {strides = array<i32>} : memref<128x768xf32, #tpu.memory_space<vmem>>, vector<1x768xf32>,
      %scan3A_657 = arith.constant 65 : i32
      %get3A_658 = arith.index_cast %arg0 : i32 to index
      %get3A_659 = arith.index_cast %scan3A_657 : i32 to index
      %get3A_660 = memref.load %arg11[%get3A_658, %get3A_659] : memref<64x128xi32, #tpu.memory_space<smem>>
      %get3A_661 = arith.index_cast %get3A_660 : i32 to index
      %get3A_662 = arith.constant 0 : index
      %get3A_663 = vector.load %arg1[%get3A_661, %get3A_662] : memref<4096x768xf32, #tpu.memory_space<vmem>>, vector<1x768xf32>
      %swap3A_664 = arith.index_cast %scan3A_657 : i32 to index
      %swap3A_665 = arith.constant 0 : index
      %swap3A_666 = vector.load %arg14[%swap3A_664, %swap3A_665] : memref<128x768xf32, #tpu.memory_space<vmem>>, vector<1x768xf32>
      tpu.vector_store %arg14[%swap3A_664, %swap3A_665], %get3A_663 {strides = array<i32>} : memref<128x768xf32, #tpu.memory_space<vmem>>, vector<1x768xf32>,
      %scan3A_667 = arith.constant 66 : i32
      %get3A_668 = arith.index_cast %arg0 : i32 to index
      %get3A_669 = arith.index_cast %scan3A_667 : i32 to index
      %get3A_670 = memref.load %arg11[%get3A_668, %get3A_669] : memref<64x128xi32, #tpu.memory_space<smem>>
      %get3A_671 = arith.index_cast %get3A_670 : i32 to index
      %get3A_672 = arith.constant 0 : index
      %get3A_673 = vector.load %arg1[%get3A_671, %get3A_672] : memref<4096x768xf32, #tpu.memory_space<vmem>>, vector<1x768xf32>
      %swap3A_674 = arith.index_cast %scan3A_667 : i32 to index
      %swap3A_675 = arith.constant 0 : index
      %swap3A_676 = vector.load %arg14[%swap3A_674, %swap3A_675] : memref<128x768xf32, #tpu.memory_space<vmem>>, vector<1x768xf32>
      tpu.vector_store %arg14[%swap3A_674, %swap3A_675], %get3A_673 {strides = array<i32>} : memref<128x768xf32, #tpu.memory_space<vmem>>, vector<1x768xf32>,
      %scan3A_677 = arith.constant 67 : i32
      %get3A_678 = arith.index_cast %arg0 : i32 to index
      %get3A_679 = arith.index_cast %scan3A_677 : i32 to index
      %get3A_680 = memref.load %arg11[%get3A_678, %get3A_679] : memref<64x128xi32, #tpu.memory_space<smem>>
      %get3A_681 = arith.index_cast %get3A_680 : i32 to index
      %get3A_682 = arith.constant 0 : index
      %get3A_683 = vector.load %arg1[%get3A_681, %get3A_682] : memref<4096x768xf32, #tpu.memory_space<vmem>>, vector<1x768xf32>
      %swap3A_684 = arith.index_cast %scan3A_677 : i32 to index
      %swap3A_685 = arith.constant 0 : index
      %swap3A_686 = vector.load %arg14[%swap3A_684, %swap3A_685] : memref<128x768xf32, #tpu.memory_space<vmem>>, vector<1x768xf32>
      tpu.vector_store %arg14[%swap3A_684, %swap3A_685], %get3A_683 {strides = array<i32>} : memref<128x768xf32, #tpu.memory_space<vmem>>, vector<1x768xf32>,
      %scan3A_687 = arith.constant 68 : i32
      %get3A_688 = arith.index_cast %arg0 : i32 to index
      %get3A_689 = arith.index_cast %scan3A_687 : i32 to index
      %get3A_690 = memref.load %arg11[%get3A_688, %get3A_689] : memref<64x128xi32, #tpu.memory_space<smem>>
      %get3A_691 = arith.index_cast %get3A_690 : i32 to index
      %get3A_692 = arith.constant 0 : index
      %get3A_693 = vector.load %arg1[%get3A_691, %get3A_692] : memref<4096x768xf32, #tpu.memory_space<vmem>>, vector<1x768xf32>
      %swap3A_694 = arith.index_cast %scan3A_687 : i32 to index
      %swap3A_695 = arith.constant 0 : index
      %swap3A_696 = vector.load %arg14[%swap3A_694, %swap3A_695] : memref<128x768xf32, #tpu.memory_space<vmem>>, vector<1x768xf32>
      tpu.vector_store %arg14[%swap3A_694, %swap3A_695], %get3A_693 {strides = array<i32>} : memref<128x768xf32, #tpu.memory_space<vmem>>, vector<1x768xf32>,
      %scan3A_697 = arith.constant 69 : i32
      %get3A_698 = arith.index_cast %arg0 : i32 to index
      %get3A_699 = arith.index_cast %scan3A_697 : i32 to index
      %get3A_700 = memref.load %arg11[%get3A_698, %get3A_699] : memref<64x128xi32, #tpu.memory_space<smem>>
      %get3A_701 = arith.index_cast %get3A_700 : i32 to index
      %get3A_702 = arith.constant 0 : index
      %get3A_703 = vector.load %arg1[%get3A_701, %get3A_702] : memref<4096x768xf32, #tpu.memory_space<vmem>>, vector<1x768xf32>
      %swap3A_704 = arith.index_cast %scan3A_697 : i32 to index
      %swap3A_705 = arith.constant 0 : index
      %swap3A_706 = vector.load %arg14[%swap3A_704, %swap3A_705] : memref<128x768xf32, #tpu.memory_space<vmem>>, vector<1x768xf32>
      tpu.vector_store %arg14[%swap3A_704, %swap3A_705], %get3A_703 {strides = array<i32>} : memref<128x768xf32, #tpu.memory_space<vmem>>, vector<1x768xf32>,
      %scan3A_707 = arith.constant 70 : i32
      %get3A_708 = arith.index_cast %arg0 : i32 to index
      %get3A_709 = arith.index_cast %scan3A_707 : i32 to index
      %get3A_710 = memref.load %arg11[%get3A_708, %get3A_709] : memref<64x128xi32, #tpu.memory_space<smem>>
      %get3A_711 = arith.index_cast %get3A_710 : i32 to index
      %get3A_712 = arith.constant 0 : index
      %get3A_713 = vector.load %arg1[%get3A_711, %get3A_712] : memref<4096x768xf32, #tpu.memory_space<vmem>>, vector<1x768xf32>
      %swap3A_714 = arith.index_cast %scan3A_707 : i32 to index
      %swap3A_715 = arith.constant 0 : index
      %swap3A_716 = vector.load %arg14[%swap3A_714, %swap3A_715] : memref<128x768xf32, #tpu.memory_space<vmem>>, vector<1x768xf32>
      tpu.vector_store %arg14[%swap3A_714, %swap3A_715], %get3A_713 {strides = array<i32>} : memref<128x768xf32, #tpu.memory_space<vmem>>, vector<1x768xf32>,
      %scan3A_717 = arith.constant 71 : i32
      %get3A_718 = arith.index_cast %arg0 : i32 to index
      %get3A_719 = arith.index_cast %scan3A_717 : i32 to index
      %get3A_720 = memref.load %arg11[%get3A_718, %get3A_719] : memref<64x128xi32, #tpu.memory_space<smem>>
      %get3A_721 = arith.index_cast %get3A_720 : i32 to index
      %get3A_722 = arith.constant 0 : index
      %get3A_723 = vector.load %arg1[%get3A_721, %get3A_722] : memref<4096x768xf32, #tpu.memory_space<vmem>>, vector<1x768xf32>
      %swap3A_724 = arith.index_cast %scan3A_717 : i32 to index
      %swap3A_725 = arith.constant 0 : index
      %swap3A_726 = vector.load %arg14[%swap3A_724, %swap3A_725] : memref<128x768xf32, #tpu.memory_space<vmem>>, vector<1x768xf32>
      tpu.vector_store %arg14[%swap3A_724, %swap3A_725], %get3A_723 {strides = array<i32>} : memref<128x768xf32, #tpu.memory_space<vmem>>, vector<1x768xf32>,
      %scan3A_727 = arith.constant 72 : i32
      %get3A_728 = arith.index_cast %arg0 : i32 to index
      %get3A_729 = arith.index_cast %scan3A_727 : i32 to index
      %get3A_730 = memref.load %arg11[%get3A_728, %get3A_729] : memref<64x128xi32, #tpu.memory_space<smem>>
      %get3A_731 = arith.index_cast %get3A_730 : i32 to index
      %get3A_732 = arith.constant 0 : index
      %get3A_733 = vector.load %arg1[%get3A_731, %get3A_732] : memref<4096x768xf32, #tpu.memory_space<vmem>>, vector<1x768xf32>
      %swap3A_734 = arith.index_cast %scan3A_727 : i32 to index
      %swap3A_735 = arith.constant 0 : index
      %swap3A_736 = vector.load %arg14[%swap3A_734, %swap3A_735] : memref<128x768xf32, #tpu.memory_space<vmem>>, vector<1x768xf32>
      tpu.vector_store %arg14[%swap3A_734, %swap3A_735], %get3A_733 {strides = array<i32>} : memref<128x768xf32, #tpu.memory_space<vmem>>, vector<1x768xf32>,
      %scan3A_737 = arith.constant 73 : i32
      %get3A_738 = arith.index_cast %arg0 : i32 to index
      %get3A_739 = arith.index_cast %scan3A_737 : i32 to index
      %get3A_740 = memref.load %arg11[%get3A_738, %get3A_739] : memref<64x128xi32, #tpu.memory_space<smem>>
      %get3A_741 = arith.index_cast %get3A_740 : i32 to index
      %get3A_742 = arith.constant 0 : index
      %get3A_743 = vector.load %arg1[%get3A_741, %get3A_742] : memref<4096x768xf32, #tpu.memory_space<vmem>>, vector<1x768xf32>
      %swap3A_744 = arith.index_cast %scan3A_737 : i32 to index
      %swap3A_745 = arith.constant 0 : index
      %swap3A_746 = vector.load %arg14[%swap3A_744, %swap3A_745] : memref<128x768xf32, #tpu.memory_space<vmem>>, vector<1x768xf32>
      tpu.vector_store %arg14[%swap3A_744, %swap3A_745], %get3A_743 {strides = array<i32>} : memref<128x768xf32, #tpu.memory_space<vmem>>, vector<1x768xf32>,
      %scan3A_747 = arith.constant 74 : i32
      %get3A_748 = arith.index_cast %arg0 : i32 to index
      %get3A_749 = arith.index_cast %scan3A_747 : i32 to index
      %get3A_750 = memref.load %arg11[%get3A_748, %get3A_749] : memref<64x128xi32, #tpu.memory_space<smem>>
      %get3A_751 = arith.index_cast %get3A_750 : i32 to index
      %get3A_752 = arith.constant 0 : index
      %get3A_753 = vector.load %arg1[%get3A_751, %get3A_752] : memref<4096x768xf32, #tpu.memory_space<vmem>>, vector<1x768xf32>
      %swap3A_754 = arith.index_cast %scan3A_747 : i32 to index
      %swap3A_755 = arith.constant 0 : index
      %swap3A_756 = vector.load %arg14[%swap3A_754, %swap3A_755] : memref<128x768xf32, #tpu.memory_space<vmem>>, vector<1x768xf32>
      tpu.vector_store %arg14[%swap3A_754, %swap3A_755], %get3A_753 {strides = array<i32>} : memref<128x768xf32, #tpu.memory_space<vmem>>, vector<1x768xf32>,
      %scan3A_757 = arith.constant 75 : i32
      %get3A_758 = arith.index_cast %arg0 : i32 to index
      %get3A_759 = arith.index_cast %scan3A_757 : i32 to index
      %get3A_760 = memref.load %arg11[%get3A_758, %get3A_759] : memref<64x128xi32, #tpu.memory_space<smem>>
      %get3A_761 = arith.index_cast %get3A_760 : i32 to index
      %get3A_762 = arith.constant 0 : index
      %get3A_763 = vector.load %arg1[%get3A_761, %get3A_762] : memref<4096x768xf32, #tpu.memory_space<vmem>>, vector<1x768xf32>
      %swap3A_764 = arith.index_cast %scan3A_757 : i32 to index
      %swap3A_765 = arith.constant 0 : index
      %swap3A_766 = vector.load %arg14[%swap3A_764, %swap3A_765] : memref<128x768xf32, #tpu.memory_space<vmem>>, vector<1x768xf32>
      tpu.vector_store %arg14[%swap3A_764, %swap3A_765], %get3A_763 {strides = array<i32>} : memref<128x768xf32, #tpu.memory_space<vmem>>, vector<1x768xf32>,
      %scan3A_767 = arith.constant 76 : i32
      %get3A_768 = arith.index_cast %arg0 : i32 to index
      %get3A_769 = arith.index_cast %scan3A_767 : i32 to index
      %get3A_770 = memref.load %arg11[%get3A_768, %get3A_769] : memref<64x128xi32, #tpu.memory_space<smem>>
      %get3A_771 = arith.index_cast %get3A_770 : i32 to index
      %get3A_772 = arith.constant 0 : index
      %get3A_773 = vector.load %arg1[%get3A_771, %get3A_772] : memref<4096x768xf32, #tpu.memory_space<vmem>>, vector<1x768xf32>
      %swap3A_774 = arith.index_cast %scan3A_767 : i32 to index
      %swap3A_775 = arith.constant 0 : index
      %swap3A_776 = vector.load %arg14[%swap3A_774, %swap3A_775] : memref<128x768xf32, #tpu.memory_space<vmem>>, vector<1x768xf32>
      tpu.vector_store %arg14[%swap3A_774, %swap3A_775], %get3A_773 {strides = array<i32>} : memref<128x768xf32, #tpu.memory_space<vmem>>, vector<1x768xf32>,
      %scan3A_777 = arith.constant 77 : i32
      %get3A_778 = arith.index_cast %arg0 : i32 to index
      %get3A_779 = arith.index_cast %scan3A_777 : i32 to index
      %get3A_780 = memref.load %arg11[%get3A_778, %get3A_779] : memref<64x128xi32, #tpu.memory_space<smem>>
      %get3A_781 = arith.index_cast %get3A_780 : i32 to index
      %get3A_782 = arith.constant 0 : index
      %get3A_783 = vector.load %arg1[%get3A_781, %get3A_782] : memref<4096x768xf32, #tpu.memory_space<vmem>>, vector<1x768xf32>
      %swap3A_784 = arith.index_cast %scan3A_777 : i32 to index
      %swap3A_785 = arith.constant 0 : index
      %swap3A_786 = vector.load %arg14[%swap3A_784, %swap3A_785] : memref<128x768xf32, #tpu.memory_space<vmem>>, vector<1x768xf32>
      tpu.vector_store %arg14[%swap3A_784, %swap3A_785], %get3A_783 {strides = array<i32>} : memref<128x768xf32, #tpu.memory_space<vmem>>, vector<1x768xf32>,
      %scan3A_787 = arith.constant 78 : i32
      %get3A_788 = arith.index_cast %arg0 : i32 to index
      %get3A_789 = arith.index_cast %scan3A_787 : i32 to index
      %get3A_790 = memref.load %arg11[%get3A_788, %get3A_789] : memref<64x128xi32, #tpu.memory_space<smem>>
      %get3A_791 = arith.index_cast %get3A_790 : i32 to index
      %get3A_792 = arith.constant 0 : index
      %get3A_793 = vector.load %arg1[%get3A_791, %get3A_792] : memref<4096x768xf32, #tpu.memory_space<vmem>>, vector<1x768xf32>
      %swap3A_794 = arith.index_cast %scan3A_787 : i32 to index
      %swap3A_795 = arith.constant 0 : index
      %swap3A_796 = vector.load %arg14[%swap3A_794, %swap3A_795] : memref<128x768xf32, #tpu.memory_space<vmem>>, vector<1x768xf32>
      tpu.vector_store %arg14[%swap3A_794, %swap3A_795], %get3A_793 {strides = array<i32>} : memref<128x768xf32, #tpu.memory_space<vmem>>, vector<1x768xf32>,
      %scan3A_797 = arith.constant 79 : i32
      %get3A_798 = arith.index_cast %arg0 : i32 to index
      %get3A_799 = arith.index_cast %scan3A_797 : i32 to index
      %get3A_800 = memref.load %arg11[%get3A_798, %get3A_799] : memref<64x128xi32, #tpu.memory_space<smem>>
      %get3A_801 = arith.index_cast %get3A_800 : i32 to index
      %get3A_802 = arith.constant 0 : index
      %get3A_803 = vector.load %arg1[%get3A_801, %get3A_802] : memref<4096x768xf32, #tpu.memory_space<vmem>>, vector<1x768xf32>
      %swap3A_804 = arith.index_cast %scan3A_797 : i32 to index
      %swap3A_805 = arith.constant 0 : index
      %swap3A_806 = vector.load %arg14[%swap3A_804, %swap3A_805] : memref<128x768xf32, #tpu.memory_space<vmem>>, vector<1x768xf32>
      tpu.vector_store %arg14[%swap3A_804, %swap3A_805], %get3A_803 {strides = array<i32>} : memref<128x768xf32, #tpu.memory_space<vmem>>, vector<1x768xf32>,
      %scan3A_807 = arith.constant 80 : i32
      %get3A_808 = arith.index_cast %arg0 : i32 to index
      %get3A_809 = arith.index_cast %scan3A_807 : i32 to index
      %get3A_810 = memref.load %arg11[%get3A_808, %get3A_809] : memref<64x128xi32, #tpu.memory_space<smem>>
      %get3A_811 = arith.index_cast %get3A_810 : i32 to index
      %get3A_812 = arith.constant 0 : index
      %get3A_813 = vector.load %arg1[%get3A_811, %get3A_812] : memref<4096x768xf32, #tpu.memory_space<vmem>>, vector<1x768xf32>
      %swap3A_814 = arith.index_cast %scan3A_807 : i32 to index
      %swap3A_815 = arith.constant 0 : index
      %swap3A_816 = vector.load %arg14[%swap3A_814, %swap3A_815] : memref<128x768xf32, #tpu.memory_space<vmem>>, vector<1x768xf32>
      tpu.vector_store %arg14[%swap3A_814, %swap3A_815], %get3A_813 {strides = array<i32>} : memref<128x768xf32, #tpu.memory_space<vmem>>, vector<1x768xf32>,
      %scan3A_817 = arith.constant 81 : i32
      %get3A_818 = arith.index_cast %arg0 : i32 to index
      %get3A_819 = arith.index_cast %scan3A_817 : i32 to index
      %get3A_820 = memref.load %arg11[%get3A_818, %get3A_819] : memref<64x128xi32, #tpu.memory_space<smem>>
      %get3A_821 = arith.index_cast %get3A_820 : i32 to index
      %get3A_822 = arith.constant 0 : index
      %get3A_823 = vector.load %arg1[%get3A_821, %get3A_822] : memref<4096x768xf32, #tpu.memory_space<vmem>>, vector<1x768xf32>
      %swap3A_824 = arith.index_cast %scan3A_817 : i32 to index
      %swap3A_825 = arith.constant 0 : index
      %swap3A_826 = vector.load %arg14[%swap3A_824, %swap3A_825] : memref<128x768xf32, #tpu.memory_space<vmem>>, vector<1x768xf32>
      tpu.vector_store %arg14[%swap3A_824, %swap3A_825], %get3A_823 {strides = array<i32>} : memref<128x768xf32, #tpu.memory_space<vmem>>, vector<1x768xf32>,
      %scan3A_827 = arith.constant 82 : i32
      %get3A_828 = arith.index_cast %arg0 : i32 to index
      %get3A_829 = arith.index_cast %scan3A_827 : i32 to index
      %get3A_830 = memref.load %arg11[%get3A_828, %get3A_829] : memref<64x128xi32, #tpu.memory_space<smem>>
      %get3A_831 = arith.index_cast %get3A_830 : i32 to index
      %get3A_832 = arith.constant 0 : index
      %get3A_833 = vector.load %arg1[%get3A_831, %get3A_832] : memref<4096x768xf32, #tpu.memory_space<vmem>>, vector<1x768xf32>
      %swap3A_834 = arith.index_cast %scan3A_827 : i32 to index
      %swap3A_835 = arith.constant 0 : index
      %swap3A_836 = vector.load %arg14[%swap3A_834, %swap3A_835] : memref<128x768xf32, #tpu.memory_space<vmem>>, vector<1x768xf32>
      tpu.vector_store %arg14[%swap3A_834, %swap3A_835], %get3A_833 {strides = array<i32>} : memref<128x768xf32, #tpu.memory_space<vmem>>, vector<1x768xf32>,
      %scan3A_837 = arith.constant 83 : i32
      %get3A_838 = arith.index_cast %arg0 : i32 to index
      %get3A_839 = arith.index_cast %scan3A_837 : i32 to index
      %get3A_840 = memref.load %arg11[%get3A_838, %get3A_839] : memref<64x128xi32, #tpu.memory_space<smem>>
      %get3A_841 = arith.index_cast %get3A_840 : i32 to index
      %get3A_842 = arith.constant 0 : index
      %get3A_843 = vector.load %arg1[%get3A_841, %get3A_842] : memref<4096x768xf32, #tpu.memory_space<vmem>>, vector<1x768xf32>
      %swap3A_844 = arith.index_cast %scan3A_837 : i32 to index
      %swap3A_845 = arith.constant 0 : index
      %swap3A_846 = vector.load %arg14[%swap3A_844, %swap3A_845] : memref<128x768xf32, #tpu.memory_space<vmem>>, vector<1x768xf32>
      tpu.vector_store %arg14[%swap3A_844, %swap3A_845], %get3A_843 {strides = array<i32>} : memref<128x768xf32, #tpu.memory_space<vmem>>, vector<1x768xf32>,
      %scan3A_847 = arith.constant 84 : i32
      %get3A_848 = arith.index_cast %arg0 : i32 to index
      %get3A_849 = arith.index_cast %scan3A_847 : i32 to index
      %get3A_850 = memref.load %arg11[%get3A_848, %get3A_849] : memref<64x128xi32, #tpu.memory_space<smem>>
      %get3A_851 = arith.index_cast %get3A_850 : i32 to index
      %get3A_852 = arith.constant 0 : index
      %get3A_853 = vector.load %arg1[%get3A_851, %get3A_852] : memref<4096x768xf32, #tpu.memory_space<vmem>>, vector<1x768xf32>
      %swap3A_854 = arith.index_cast %scan3A_847 : i32 to index
      %swap3A_855 = arith.constant 0 : index
      %swap3A_856 = vector.load %arg14[%swap3A_854, %swap3A_855] : memref<128x768xf32, #tpu.memory_space<vmem>>, vector<1x768xf32>
      tpu.vector_store %arg14[%swap3A_854, %swap3A_855], %get3A_853 {strides = array<i32>} : memref<128x768xf32, #tpu.memory_space<vmem>>, vector<1x768xf32>,
      %scan3A_857 = arith.constant 85 : i32
      %get3A_858 = arith.index_cast %arg0 : i32 to index
      %get3A_859 = arith.index_cast %scan3A_857 : i32 to index
      %get3A_860 = memref.load %arg11[%get3A_858, %get3A_859] : memref<64x128xi32, #tpu.memory_space<smem>>
      %get3A_861 = arith.index_cast %get3A_860 : i32 to index
      %get3A_862 = arith.constant 0 : index
      %get3A_863 = vector.load %arg1[%get3A_861, %get3A_862] : memref<4096x768xf32, #tpu.memory_space<vmem>>, vector<1x768xf32>
      %swap3A_864 = arith.index_cast %scan3A_857 : i32 to index
      %swap3A_865 = arith.constant 0 : index
      %swap3A_866 = vector.load %arg14[%swap3A_864, %swap3A_865] : memref<128x768xf32, #tpu.memory_space<vmem>>, vector<1x768xf32>
      tpu.vector_store %arg14[%swap3A_864, %swap3A_865], %get3A_863 {strides = array<i32>} : memref<128x768xf32, #tpu.memory_space<vmem>>, vector<1x768xf32>,
      %scan3A_867 = arith.constant 86 : i32
      %get3A_868 = arith.index_cast %arg0 : i32 to index
      %get3A_869 = arith.index_cast %scan3A_867 : i32 to index
      %get3A_870 = memref.load %arg11[%get3A_868, %get3A_869] : memref<64x128xi32, #tpu.memory_space<smem>>
      %get3A_871 = arith.index_cast %get3A_870 : i32 to index
      %get3A_872 = arith.constant 0 : index
      %get3A_873 = vector.load %arg1[%get3A_871, %get3A_872] : memref<4096x768xf32, #tpu.memory_space<vmem>>, vector<1x768xf32>
      %swap3A_874 = arith.index_cast %scan3A_867 : i32 to index
      %swap3A_875 = arith.constant 0 : index
      %swap3A_876 = vector.load %arg14[%swap3A_874, %swap3A_875] : memref<128x768xf32, #tpu.memory_space<vmem>>, vector<1x768xf32>
      tpu.vector_store %arg14[%swap3A_874, %swap3A_875], %get3A_873 {strides = array<i32>} : memref<128x768xf32, #tpu.memory_space<vmem>>, vector<1x768xf32>,
      %scan3A_877 = arith.constant 87 : i32
      %get3A_878 = arith.index_cast %arg0 : i32 to index
      %get3A_879 = arith.index_cast %scan3A_877 : i32 to index
      %get3A_880 = memref.load %arg11[%get3A_878, %get3A_879] : memref<64x128xi32, #tpu.memory_space<smem>>
      %get3A_881 = arith.index_cast %get3A_880 : i32 to index
      %get3A_882 = arith.constant 0 : index
      %get3A_883 = vector.load %arg1[%get3A_881, %get3A_882] : memref<4096x768xf32, #tpu.memory_space<vmem>>, vector<1x768xf32>
      %swap3A_884 = arith.index_cast %scan3A_877 : i32 to index
      %swap3A_885 = arith.constant 0 : index
      %swap3A_886 = vector.load %arg14[%swap3A_884, %swap3A_885] : memref<128x768xf32, #tpu.memory_space<vmem>>, vector<1x768xf32>
      tpu.vector_store %arg14[%swap3A_884, %swap3A_885], %get3A_883 {strides = array<i32>} : memref<128x768xf32, #tpu.memory_space<vmem>>, vector<1x768xf32>,
      %scan3A_887 = arith.constant 88 : i32
      %get3A_888 = arith.index_cast %arg0 : i32 to index
      %get3A_889 = arith.index_cast %scan3A_887 : i32 to index
      %get3A_890 = memref.load %arg11[%get3A_888, %get3A_889] : memref<64x128xi32, #tpu.memory_space<smem>>
      %get3A_891 = arith.index_cast %get3A_890 : i32 to index
      %get3A_892 = arith.constant 0 : index
      %get3A_893 = vector.load %arg1[%get3A_891, %get3A_892] : memref<4096x768xf32, #tpu.memory_space<vmem>>, vector<1x768xf32>
      %swap3A_894 = arith.index_cast %scan3A_887 : i32 to index
      %swap3A_895 = arith.constant 0 : index
      %swap3A_896 = vector.load %arg14[%swap3A_894, %swap3A_895] : memref<128x768xf32, #tpu.memory_space<vmem>>, vector<1x768xf32>
      tpu.vector_store %arg14[%swap3A_894, %swap3A_895], %get3A_893 {strides = array<i32>} : memref<128x768xf32, #tpu.memory_space<vmem>>, vector<1x768xf32>,
      %scan3A_897 = arith.constant 89 : i32
      %get3A_898 = arith.index_cast %arg0 : i32 to index
      %get3A_899 = arith.index_cast %scan3A_897 : i32 to index
      %get3A_900 = memref.load %arg11[%get3A_898, %get3A_899] : memref<64x128xi32, #tpu.memory_space<smem>>
      %get3A_901 = arith.index_cast %get3A_900 : i32 to index
      %get3A_902 = arith.constant 0 : index
      %get3A_903 = vector.load %arg1[%get3A_901, %get3A_902] : memref<4096x768xf32, #tpu.memory_space<vmem>>, vector<1x768xf32>
      %swap3A_904 = arith.index_cast %scan3A_897 : i32 to index
      %swap3A_905 = arith.constant 0 : index
      %swap3A_906 = vector.load %arg14[%swap3A_904, %swap3A_905] : memref<128x768xf32, #tpu.memory_space<vmem>>, vector<1x768xf32>
      tpu.vector_store %arg14[%swap3A_904, %swap3A_905], %get3A_903 {strides = array<i32>} : memref<128x768xf32, #tpu.memory_space<vmem>>, vector<1x768xf32>,
      %scan3A_907 = arith.constant 90 : i32
      %get3A_908 = arith.index_cast %arg0 : i32 to index
      %get3A_909 = arith.index_cast %scan3A_907 : i32 to index
      %get3A_910 = memref.load %arg11[%get3A_908, %get3A_909] : memref<64x128xi32, #tpu.memory_space<smem>>
      %get3A_911 = arith.index_cast %get3A_910 : i32 to index
      %get3A_912 = arith.constant 0 : index
      %get3A_913 = vector.load %arg1[%get3A_911, %get3A_912] : memref<4096x768xf32, #tpu.memory_space<vmem>>, vector<1x768xf32>
      %swap3A_914 = arith.index_cast %scan3A_907 : i32 to index
      %swap3A_915 = arith.constant 0 : index
      %swap3A_916 = vector.load %arg14[%swap3A_914, %swap3A_915] : memref<128x768xf32, #tpu.memory_space<vmem>>, vector<1x768xf32>
      tpu.vector_store %arg14[%swap3A_914, %swap3A_915], %get3A_913 {strides = array<i32>} : memref<128x768xf32, #tpu.memory_space<vmem>>, vector<1x768xf32>,
      %scan3A_917 = arith.constant 91 : i32
      %get3A_918 = arith.index_cast %arg0 : i32 to index
      %get3A_919 = arith.index_cast %scan3A_917 : i32 to index
      %get3A_920 = memref.load %arg11[%get3A_918, %get3A_919] : memref<64x128xi32, #tpu.memory_space<smem>>
      %get3A_921 = arith.index_cast %get3A_920 : i32 to index
      %get3A_922 = arith.constant 0 : index
      %get3A_923 = vector.load %arg1[%get3A_921, %get3A_922] : memref<4096x768xf32, #tpu.memory_space<vmem>>, vector<1x768xf32>
      %swap3A_924 = arith.index_cast %scan3A_917 : i32 to index
      %swap3A_925 = arith.constant 0 : index
      %swap3A_926 = vector.load %arg14[%swap3A_924, %swap3A_925] : memref<128x768xf32, #tpu.memory_space<vmem>>, vector<1x768xf32>
      tpu.vector_store %arg14[%swap3A_924, %swap3A_925], %get3A_923 {strides = array<i32>} : memref<128x768xf32, #tpu.memory_space<vmem>>, vector<1x768xf32>,
      %scan3A_927 = arith.constant 92 : i32
      %get3A_928 = arith.index_cast %arg0 : i32 to index
      %get3A_929 = arith.index_cast %scan3A_927 : i32 to index
      %get3A_930 = memref.load %arg11[%get3A_928, %get3A_929] : memref<64x128xi32, #tpu.memory_space<smem>>
      %get3A_931 = arith.index_cast %get3A_930 : i32 to index
      %get3A_932 = arith.constant 0 : index
      %get3A_933 = vector.load %arg1[%get3A_931, %get3A_932] : memref<4096x768xf32, #tpu.memory_space<vmem>>, vector<1x768xf32>
      %swap3A_934 = arith.index_cast %scan3A_927 : i32 to index
      %swap3A_935 = arith.constant 0 : index
      %swap3A_936 = vector.load %arg14[%swap3A_934, %swap3A_935] : memref<128x768xf32, #tpu.memory_space<vmem>>, vector<1x768xf32>
      tpu.vector_store %arg14[%swap3A_934, %swap3A_935], %get3A_933 {strides = array<i32>} : memref<128x768xf32, #tpu.memory_space<vmem>>, vector<1x768xf32>,
      %scan3A_937 = arith.constant 93 : i32
      %get3A_938 = arith.index_cast %arg0 : i32 to index
      %get3A_939 = arith.index_cast %scan3A_937 : i32 to index
      %get3A_940 = memref.load %arg11[%get3A_938, %get3A_939] : memref<64x128xi32, #tpu.memory_space<smem>>
      %get3A_941 = arith.index_cast %get3A_940 : i32 to index
      %get3A_942 = arith.constant 0 : index
      %get3A_943 = vector.load %arg1[%get3A_941, %get3A_942] : memref<4096x768xf32, #tpu.memory_space<vmem>>, vector<1x768xf32>
      %swap3A_944 = arith.index_cast %scan3A_937 : i32 to index
      %swap3A_945 = arith.constant 0 : index
      %swap3A_946 = vector.load %arg14[%swap3A_944, %swap3A_945] : memref<128x768xf32, #tpu.memory_space<vmem>>, vector<1x768xf32>
      tpu.vector_store %arg14[%swap3A_944, %swap3A_945], %get3A_943 {strides = array<i32>} : memref<128x768xf32, #tpu.memory_space<vmem>>, vector<1x768xf32>,
      %scan3A_947 = arith.constant 94 : i32
      %get3A_948 = arith.index_cast %arg0 : i32 to index
      %get3A_949 = arith.index_cast %scan3A_947 : i32 to index
      %get3A_950 = memref.load %arg11[%get3A_948, %get3A_949] : memref<64x128xi32, #tpu.memory_space<smem>>
      %get3A_951 = arith.index_cast %get3A_950 : i32 to index
      %get3A_952 = arith.constant 0 : index
      %get3A_953 = vector.load %arg1[%get3A_951, %get3A_952] : memref<4096x768xf32, #tpu.memory_space<vmem>>, vector<1x768xf32>
      %swap3A_954 = arith.index_cast %scan3A_947 : i32 to index
      %swap3A_955 = arith.constant 0 : index
      %swap3A_956 = vector.load %arg14[%swap3A_954, %swap3A_955] : memref<128x768xf32, #tpu.memory_space<vmem>>, vector<1x768xf32>
      tpu.vector_store %arg14[%swap3A_954, %swap3A_955], %get3A_953 {strides = array<i32>} : memref<128x768xf32, #tpu.memory_space<vmem>>, vector<1x768xf32>,
      %scan3A_957 = arith.constant 95 : i32
      %get3A_958 = arith.index_cast %arg0 : i32 to index
      %get3A_959 = arith.index_cast %scan3A_957 : i32 to index
      %get3A_960 = memref.load %arg11[%get3A_958, %get3A_959] : memref<64x128xi32, #tpu.memory_space<smem>>
      %get3A_961 = arith.index_cast %get3A_960 : i32 to index
      %get3A_962 = arith.constant 0 : index
      %get3A_963 = vector.load %arg1[%get3A_961, %get3A_962] : memref<4096x768xf32, #tpu.memory_space<vmem>>, vector<1x768xf32>
      %swap3A_964 = arith.index_cast %scan3A_957 : i32 to index
      %swap3A_965 = arith.constant 0 : index
      %swap3A_966 = vector.load %arg14[%swap3A_964, %swap3A_965] : memref<128x768xf32, #tpu.memory_space<vmem>>, vector<1x768xf32>
      tpu.vector_store %arg14[%swap3A_964, %swap3A_965], %get3A_963 {strides = array<i32>} : memref<128x768xf32, #tpu.memory_space<vmem>>, vector<1x768xf32>,
      %scan3A_967 = arith.constant 96 : i32
      %get3A_968 = arith.index_cast %arg0 : i32 to index
      %get3A_969 = arith.index_cast %scan3A_967 : i32 to index
      %get3A_970 = memref.load %arg11[%get3A_968, %get3A_969] : memref<64x128xi32, #tpu.memory_space<smem>>
      %get3A_971 = arith.index_cast %get3A_970 : i32 to index
      %get3A_972 = arith.constant 0 : index
      %get3A_973 = vector.load %arg1[%get3A_971, %get3A_972] : memref<4096x768xf32, #tpu.memory_space<vmem>>, vector<1x768xf32>
      %swap3A_974 = arith.index_cast %scan3A_967 : i32 to index
      %swap3A_975 = arith.constant 0 : index
      %swap3A_976 = vector.load %arg14[%swap3A_974, %swap3A_975] : memref<128x768xf32, #tpu.memory_space<vmem>>, vector<1x768xf32>
      tpu.vector_store %arg14[%swap3A_974, %swap3A_975], %get3A_973 {strides = array<i32>} : memref<128x768xf32, #tpu.memory_space<vmem>>, vector<1x768xf32>,
      %scan3A_977 = arith.constant 97 : i32
      %get3A_978 = arith.index_cast %arg0 : i32 to index
      %get3A_979 = arith.index_cast %scan3A_977 : i32 to index
      %get3A_980 = memref.load %arg11[%get3A_978, %get3A_979] : memref<64x128xi32, #tpu.memory_space<smem>>
      %get3A_981 = arith.index_cast %get3A_980 : i32 to index
      %get3A_982 = arith.constant 0 : index
      %get3A_983 = vector.load %arg1[%get3A_981, %get3A_982] : memref<4096x768xf32, #tpu.memory_space<vmem>>, vector<1x768xf32>
      %swap3A_984 = arith.index_cast %scan3A_977 : i32 to index
      %swap3A_985 = arith.constant 0 : index
      %swap3A_986 = vector.load %arg14[%swap3A_984, %swap3A_985] : memref<128x768xf32, #tpu.memory_space<vmem>>, vector<1x768xf32>
      tpu.vector_store %arg14[%swap3A_984, %swap3A_985], %get3A_983 {strides = array<i32>} : memref<128x768xf32, #tpu.memory_space<vmem>>, vector<1x768xf32>,
      %scan3A_987 = arith.constant 98 : i32
      %get3A_988 = arith.index_cast %arg0 : i32 to index
      %get3A_989 = arith.index_cast %scan3A_987 : i32 to index
      %get3A_990 = memref.load %arg11[%get3A_988, %get3A_989] : memref<64x128xi32, #tpu.memory_space<smem>>
      %get3A_991 = arith.index_cast %get3A_990 : i32 to index
      %get3A_992 = arith.constant 0 : index
      %get3A_993 = vector.load %arg1[%get3A_991, %get3A_992] : memref<4096x768xf32, #tpu.memory_space<vmem>>, vector<1x768xf32>
      %swap3A_994 = arith.index_cast %scan3A_987 : i32 to index
      %swap3A_995 = arith.constant 0 : index
      %swap3A_996 = vector.load %arg14[%swap3A_994, %swap3A_995] : memref<128x768xf32, #tpu.memory_space<vmem>>, vector<1x768xf32>
      tpu.vector_store %arg14[%swap3A_994, %swap3A_995], %get3A_993 {strides = array<i32>} : memref<128x768xf32, #tpu.memory_space<vmem>>, vector<1x768xf32>,
      %scan3A_997 = arith.constant 99 : i32
      %get3A_998 = arith.index_cast %arg0 : i32 to index
      %get3A_999 = arith.index_cast %scan3A_997 : i32 to index
      %get3A_1000 = memref.load %arg11[%get3A_998, %get3A_999] : memref<64x128xi32, #tpu.memory_space<smem>>
      %get3A_1001 = arith.index_cast %get3A_1000 : i32 to index
      %get3A_1002 = arith.constant 0 : index
      %get3A_1003 = vector.load %arg1[%get3A_1001, %get3A_1002] : memref<4096x768xf32, #tpu.memory_space<vmem>>, vector<1x768xf32>
      %swap3A_1004 = arith.index_cast %scan3A_997 : i32 to index
      %swap3A_1005 = arith.constant 0 : index
      %swap3A_1006 = vector.load %arg14[%swap3A_1004, %swap3A_1005] : memref<128x768xf32, #tpu.memory_space<vmem>>, vector<1x768xf32>
      tpu.vector_store %arg14[%swap3A_1004, %swap3A_1005], %get3A_1003 {strides = array<i32>} : memref<128x768xf32, #tpu.memory_space<vmem>>, vector<1x768xf32>,
      %scan3A_1007 = arith.constant 100 : i32
      %get3A_1008 = arith.index_cast %arg0 : i32 to index
      %get3A_1009 = arith.index_cast %scan3A_1007 : i32 to index
      %get3A_1010 = memref.load %arg11[%get3A_1008, %get3A_1009] : memref<64x128xi32, #tpu.memory_space<smem>>
      %get3A_1011 = arith.index_cast %get3A_1010 : i32 to index
      %get3A_1012 = arith.constant 0 : index
      %get3A_1013 = vector.load %arg1[%get3A_1011, %get3A_1012] : memref<4096x768xf32, #tpu.memory_space<vmem>>, vector<1x768xf32>
      %swap3A_1014 = arith.index_cast %scan3A_1007 : i32 to index
      %swap3A_1015 = arith.constant 0 : index
      %swap3A_1016 = vector.load %arg14[%swap3A_1014, %swap3A_1015] : memref<128x768xf32, #tpu.memory_space<vmem>>, vector<1x768xf32>
      tpu.vector_store %arg14[%swap3A_1014, %swap3A_1015], %get3A_1013 {strides = array<i32>} : memref<128x768xf32, #tpu.memory_space<vmem>>, vector<1x768xf32>,
      %scan3A_1017 = arith.constant 101 : i32
      %get3A_1018 = arith.index_cast %arg0 : i32 to index
      %get3A_1019 = arith.index_cast %scan3A_1017 : i32 to index
      %get3A_1020 = memref.load %arg11[%get3A_1018, %get3A_1019] : memref<64x128xi32, #tpu.memory_space<smem>>
      %get3A_1021 = arith.index_cast %get3A_1020 : i32 to index
      %get3A_1022 = arith.constant 0 : index
      %get3A_1023 = vector.load %arg1[%get3A_1021, %get3A_1022] : memref<4096x768xf32, #tpu.memory_space<vmem>>, vector<1x768xf32>
      %swap3A_1024 = arith.index_cast %scan3A_1017 : i32 to index
      %swap3A_1025 = arith.constant 0 : index
      %swap3A_1026 = vector.load %arg14[%swap3A_1024, %swap3A_1025] : memref<128x768xf32, #tpu.memory_space<vmem>>, vector<1x768xf32>
      tpu.vector_store %arg14[%swap3A_1024, %swap3A_1025], %get3A_1023 {strides = array<i32>} : memref<128x768xf32, #tpu.memory_space<vmem>>, vector<1x768xf32>,
      %scan3A_1027 = arith.constant 102 : i32
      %get3A_1028 = arith.index_cast %arg0 : i32 to index
      %get3A_1029 = arith.index_cast %scan3A_1027 : i32 to index
      %get3A_1030 = memref.load %arg11[%get3A_1028, %get3A_1029] : memref<64x128xi32, #tpu.memory_space<smem>>
      %get3A_1031 = arith.index_cast %get3A_1030 : i32 to index
      %get3A_1032 = arith.constant 0 : index
      %get3A_1033 = vector.load %arg1[%get3A_1031, %get3A_1032] : memref<4096x768xf32, #tpu.memory_space<vmem>>, vector<1x768xf32>
      %swap3A_1034 = arith.index_cast %scan3A_1027 : i32 to index
      %swap3A_1035 = arith.constant 0 : index
      %swap3A_1036 = vector.load %arg14[%swap3A_1034, %swap3A_1035] : memref<128x768xf32, #tpu.memory_space<vmem>>, vector<1x768xf32>
      tpu.vector_store %arg14[%swap3A_1034, %swap3A_1035], %get3A_1033 {strides = array<i32>} : memref<128x768xf32, #tpu.memory_space<vmem>>, vector<1x768xf32>,
      %scan3A_1037 = arith.constant 103 : i32
      %get3A_1038 = arith.index_cast %arg0 : i32 to index
      %get3A_1039 = arith.index_cast %scan3A_1037 : i32 to index
      %get3A_1040 = memref.load %arg11[%get3A_1038, %get3A_1039] : memref<64x128xi32, #tpu.memory_space<smem>>
      %get3A_1041 = arith.index_cast %get3A_1040 : i32 to index
      %get3A_1042 = arith.constant 0 : index
      %get3A_1043 = vector.load %arg1[%get3A_1041, %get3A_1042] : memref<4096x768xf32, #tpu.memory_space<vmem>>, vector<1x768xf32>
      %swap3A_1044 = arith.index_cast %scan3A_1037 : i32 to index
      %swap3A_1045 = arith.constant 0 : index
      %swap3A_1046 = vector.load %arg14[%swap3A_1044, %swap3A_1045] : memref<128x768xf32, #tpu.memory_space<vmem>>, vector<1x768xf32>
      tpu.vector_store %arg14[%swap3A_1044, %swap3A_1045], %get3A_1043 {strides = array<i32>} : memref<128x768xf32, #tpu.memory_space<vmem>>, vector<1x768xf32>,
      %scan3A_1047 = arith.constant 104 : i32
      %get3A_1048 = arith.index_cast %arg0 : i32 to index
      %get3A_1049 = arith.index_cast %scan3A_1047 : i32 to index
      %get3A_1050 = memref.load %arg11[%get3A_1048, %get3A_1049] : memref<64x128xi32, #tpu.memory_space<smem>>
      %get3A_1051 = arith.index_cast %get3A_1050 : i32 to index
      %get3A_1052 = arith.constant 0 : index
      %get3A_1053 = vector.load %arg1[%get3A_1051, %get3A_1052] : memref<4096x768xf32, #tpu.memory_space<vmem>>, vector<1x768xf32>
      %swap3A_1054 = arith.index_cast %scan3A_1047 : i32 to index
      %swap3A_1055 = arith.constant 0 : index
      %swap3A_1056 = vector.load %arg14[%swap3A_1054, %swap3A_1055] : memref<128x768xf32, #tpu.memory_space<vmem>>, vector<1x768xf32>
      tpu.vector_store %arg14[%swap3A_1054, %swap3A_1055], %get3A_1053 {strides = array<i32>} : memref<128x768xf32, #tpu.memory_space<vmem>>, vector<1x768xf32>,
      %scan3A_1057 = arith.constant 105 : i32
      %get3A_1058 = arith.index_cast %arg0 : i32 to index
      %get3A_1059 = arith.index_cast %scan3A_1057 : i32 to index
      %get3A_1060 = memref.load %arg11[%get3A_1058, %get3A_1059] : memref<64x128xi32, #tpu.memory_space<smem>>
      %get3A_1061 = arith.index_cast %get3A_1060 : i32 to index
      %get3A_1062 = arith.constant 0 : index
      %get3A_1063 = vector.load %arg1[%get3A_1061, %get3A_1062] : memref<4096x768xf32, #tpu.memory_space<vmem>>, vector<1x768xf32>
      %swap3A_1064 = arith.index_cast %scan3A_1057 : i32 to index
      %swap3A_1065 = arith.constant 0 : index
      %swap3A_1066 = vector.load %arg14[%swap3A_1064, %swap3A_1065] : memref<128x768xf32, #tpu.memory_space<vmem>>, vector<1x768xf32>
      tpu.vector_store %arg14[%swap3A_1064, %swap3A_1065], %get3A_1063 {strides = array<i32>} : memref<128x768xf32, #tpu.memory_space<vmem>>, vector<1x768xf32>,
      %scan3A_1067 = arith.constant 106 : i32
      %get3A_1068 = arith.index_cast %arg0 : i32 to index
      %get3A_1069 = arith.index_cast %scan3A_1067 : i32 to index
      %get3A_1070 = memref.load %arg11[%get3A_1068, %get3A_1069] : memref<64x128xi32, #tpu.memory_space<smem>>
      %get3A_1071 = arith.index_cast %get3A_1070 : i32 to index
      %get3A_1072 = arith.constant 0 : index
      %get3A_1073 = vector.load %arg1[%get3A_1071, %get3A_1072] : memref<4096x768xf32, #tpu.memory_space<vmem>>, vector<1x768xf32>
      %swap3A_1074 = arith.index_cast %scan3A_1067 : i32 to index
      %swap3A_1075 = arith.constant 0 : index
      %swap3A_1076 = vector.load %arg14[%swap3A_1074, %swap3A_1075] : memref<128x768xf32, #tpu.memory_space<vmem>>, vector<1x768xf32>
      tpu.vector_store %arg14[%swap3A_1074, %swap3A_1075], %get3A_1073 {strides = array<i32>} : memref<128x768xf32, #tpu.memory_space<vmem>>, vector<1x768xf32>,
      %scan3A_1077 = arith.constant 107 : i32
      %get3A_1078 = arith.index_cast %arg0 : i32 to index
      %get3A_1079 = arith.index_cast %scan3A_1077 : i32 to index
      %get3A_1080 = memref.load %arg11[%get3A_1078, %get3A_1079] : memref<64x128xi32, #tpu.memory_space<smem>>
      %get3A_1081 = arith.index_cast %get3A_1080 : i32 to index
      %get3A_1082 = arith.constant 0 : index
      %get3A_1083 = vector.load %arg1[%get3A_1081, %get3A_1082] : memref<4096x768xf32, #tpu.memory_space<vmem>>, vector<1x768xf32>
      %swap3A_1084 = arith.index_cast %scan3A_1077 : i32 to index
      %swap3A_1085 = arith.constant 0 : index
      %swap3A_1086 = vector.load %arg14[%swap3A_1084, %swap3A_1085] : memref<128x768xf32, #tpu.memory_space<vmem>>, vector<1x768xf32>
      tpu.vector_store %arg14[%swap3A_1084, %swap3A_1085], %get3A_1083 {strides = array<i32>} : memref<128x768xf32, #tpu.memory_space<vmem>>, vector<1x768xf32>,
      %scan3A_1087 = arith.constant 108 : i32
      %get3A_1088 = arith.index_cast %arg0 : i32 to index
      %get3A_1089 = arith.index_cast %scan3A_1087 : i32 to index
      %get3A_1090 = memref.load %arg11[%get3A_1088, %get3A_1089] : memref<64x128xi32, #tpu.memory_space<smem>>
      %get3A_1091 = arith.index_cast %get3A_1090 : i32 to index
      %get3A_1092 = arith.constant 0 : index
      %get3A_1093 = vector.load %arg1[%get3A_1091, %get3A_1092] : memref<4096x768xf32, #tpu.memory_space<vmem>>, vector<1x768xf32>
      %swap3A_1094 = arith.index_cast %scan3A_1087 : i32 to index
      %swap3A_1095 = arith.constant 0 : index
      %swap3A_1096 = vector.load %arg14[%swap3A_1094, %swap3A_1095] : memref<128x768xf32, #tpu.memory_space<vmem>>, vector<1x768xf32>
      tpu.vector_store %arg14[%swap3A_1094, %swap3A_1095], %get3A_1093 {strides = array<i32>} : memref<128x768xf32, #tpu.memory_space<vmem>>, vector<1x768xf32>,
      %scan3A_1097 = arith.constant 109 : i32
      %get3A_1098 = arith.index_cast %arg0 : i32 to index
      %get3A_1099 = arith.index_cast %scan3A_1097 : i32 to index
      %get3A_1100 = memref.load %arg11[%get3A_1098, %get3A_1099] : memref<64x128xi32, #tpu.memory_space<smem>>
      %get3A_1101 = arith.index_cast %get3A_1100 : i32 to index
      %get3A_1102 = arith.constant 0 : index
      %get3A_1103 = vector.load %arg1[%get3A_1101, %get3A_1102] : memref<4096x768xf32, #tpu.memory_space<vmem>>, vector<1x768xf32>
      %swap3A_1104 = arith.index_cast %scan3A_1097 : i32 to index
      %swap3A_1105 = arith.constant 0 : index
      %swap3A_1106 = vector.load %arg14[%swap3A_1104, %swap3A_1105] : memref<128x768xf32, #tpu.memory_space<vmem>>, vector<1x768xf32>
      tpu.vector_store %arg14[%swap3A_1104, %swap3A_1105], %get3A_1103 {strides = array<i32>} : memref<128x768xf32, #tpu.memory_space<vmem>>, vector<1x768xf32>,
      %scan3A_1107 = arith.constant 110 : i32
      %get3A_1108 = arith.index_cast %arg0 : i32 to index
      %get3A_1109 = arith.index_cast %scan3A_1107 : i32 to index
      %get3A_1110 = memref.load %arg11[%get3A_1108, %get3A_1109] : memref<64x128xi32, #tpu.memory_space<smem>>
      %get3A_1111 = arith.index_cast %get3A_1110 : i32 to index
      %get3A_1112 = arith.constant 0 : index
      %get3A_1113 = vector.load %arg1[%get3A_1111, %get3A_1112] : memref<4096x768xf32, #tpu.memory_space<vmem>>, vector<1x768xf32>
      %swap3A_1114 = arith.index_cast %scan3A_1107 : i32 to index
      %swap3A_1115 = arith.constant 0 : index
      %swap3A_1116 = vector.load %arg14[%swap3A_1114, %swap3A_1115] : memref<128x768xf32, #tpu.memory_space<vmem>>, vector<1x768xf32>
      tpu.vector_store %arg14[%swap3A_1114, %swap3A_1115], %get3A_1113 {strides = array<i32>} : memref<128x768xf32, #tpu.memory_space<vmem>>, vector<1x768xf32>,
      %scan3A_1117 = arith.constant 111 : i32
      %get3A_1118 = arith.index_cast %arg0 : i32 to index
      %get3A_1119 = arith.index_cast %scan3A_1117 : i32 to index
      %get3A_1120 = memref.load %arg11[%get3A_1118, %get3A_1119] : memref<64x128xi32, #tpu.memory_space<smem>>
      %get3A_1121 = arith.index_cast %get3A_1120 : i32 to index
      %get3A_1122 = arith.constant 0 : index
      %get3A_1123 = vector.load %arg1[%get3A_1121, %get3A_1122] : memref<4096x768xf32, #tpu.memory_space<vmem>>, vector<1x768xf32>
      %swap3A_1124 = arith.index_cast %scan3A_1117 : i32 to index
      %swap3A_1125 = arith.constant 0 : index
      %swap3A_1126 = vector.load %arg14[%swap3A_1124, %swap3A_1125] : memref<128x768xf32, #tpu.memory_space<vmem>>, vector<1x768xf32>
      tpu.vector_store %arg14[%swap3A_1124, %swap3A_1125], %get3A_1123 {strides = array<i32>} : memref<128x768xf32, #tpu.memory_space<vmem>>, vector<1x768xf32>,
      %scan3A_1127 = arith.constant 112 : i32
      %get3A_1128 = arith.index_cast %arg0 : i32 to index
      %get3A_1129 = arith.index_cast %scan3A_1127 : i32 to index
      %get3A_1130 = memref.load %arg11[%get3A_1128, %get3A_1129] : memref<64x128xi32, #tpu.memory_space<smem>>
      %get3A_1131 = arith.index_cast %get3A_1130 : i32 to index
      %get3A_1132 = arith.constant 0 : index
      %get3A_1133 = vector.load %arg1[%get3A_1131, %get3A_1132] : memref<4096x768xf32, #tpu.memory_space<vmem>>, vector<1x768xf32>
      %swap3A_1134 = arith.index_cast %scan3A_1127 : i32 to index
      %swap3A_1135 = arith.constant 0 : index
      %swap3A_1136 = vector.load %arg14[%swap3A_1134, %swap3A_1135] : memref<128x768xf32, #tpu.memory_space<vmem>>, vector<1x768xf32>
      tpu.vector_store %arg14[%swap3A_1134, %swap3A_1135], %get3A_1133 {strides = array<i32>} : memref<128x768xf32, #tpu.memory_space<vmem>>, vector<1x768xf32>,
      %scan3A_1137 = arith.constant 113 : i32
      %get3A_1138 = arith.index_cast %arg0 : i32 to index
      %get3A_1139 = arith.index_cast %scan3A_1137 : i32 to index
      %get3A_1140 = memref.load %arg11[%get3A_1138, %get3A_1139] : memref<64x128xi32, #tpu.memory_space<smem>>
      %get3A_1141 = arith.index_cast %get3A_1140 : i32 to index
      %get3A_1142 = arith.constant 0 : index
      %get3A_1143 = vector.load %arg1[%get3A_1141, %get3A_1142] : memref<4096x768xf32, #tpu.memory_space<vmem>>, vector<1x768xf32>
      %swap3A_1144 = arith.index_cast %scan3A_1137 : i32 to index
      %swap3A_1145 = arith.constant 0 : index
      %swap3A_1146 = vector.load %arg14[%swap3A_1144, %swap3A_1145] : memref<128x768xf32, #tpu.memory_space<vmem>>, vector<1x768xf32>
      tpu.vector_store %arg14[%swap3A_1144, %swap3A_1145], %get3A_1143 {strides = array<i32>} : memref<128x768xf32, #tpu.memory_space<vmem>>, vector<1x768xf32>,
      %scan3A_1147 = arith.constant 114 : i32
      %get3A_1148 = arith.index_cast %arg0 : i32 to index
      %get3A_1149 = arith.index_cast %scan3A_1147 : i32 to index
      %get3A_1150 = memref.load %arg11[%get3A_1148, %get3A_1149] : memref<64x128xi32, #tpu.memory_space<smem>>
      %get3A_1151 = arith.index_cast %get3A_1150 : i32 to index
      %get3A_1152 = arith.constant 0 : index
      %get3A_1153 = vector.load %arg1[%get3A_1151, %get3A_1152] : memref<4096x768xf32, #tpu.memory_space<vmem>>, vector<1x768xf32>
      %swap3A_1154 = arith.index_cast %scan3A_1147 : i32 to index
      %swap3A_1155 = arith.constant 0 : index
      %swap3A_1156 = vector.load %arg14[%swap3A_1154, %swap3A_1155] : memref<128x768xf32, #tpu.memory_space<vmem>>, vector<1x768xf32>
      tpu.vector_store %arg14[%swap3A_1154, %swap3A_1155], %get3A_1153 {strides = array<i32>} : memref<128x768xf32, #tpu.memory_space<vmem>>, vector<1x768xf32>,
      %scan3A_1157 = arith.constant 115 : i32
      %get3A_1158 = arith.index_cast %arg0 : i32 to index
      %get3A_1159 = arith.index_cast %scan3A_1157 : i32 to index
      %get3A_1160 = memref.load %arg11[%get3A_1158, %get3A_1159] : memref<64x128xi32, #tpu.memory_space<smem>>
      %get3A_1161 = arith.index_cast %get3A_1160 : i32 to index
      %get3A_1162 = arith.constant 0 : index
      %get3A_1163 = vector.load %arg1[%get3A_1161, %get3A_1162] : memref<4096x768xf32, #tpu.memory_space<vmem>>, vector<1x768xf32>
      %swap3A_1164 = arith.index_cast %scan3A_1157 : i32 to index
      %swap3A_1165 = arith.constant 0 : index
      %swap3A_1166 = vector.load %arg14[%swap3A_1164, %swap3A_1165] : memref<128x768xf32, #tpu.memory_space<vmem>>, vector<1x768xf32>
      tpu.vector_store %arg14[%swap3A_1164, %swap3A_1165], %get3A_1163 {strides = array<i32>} : memref<128x768xf32, #tpu.memory_space<vmem>>, vector<1x768xf32>,
      %scan3A_1167 = arith.constant 116 : i32
      %get3A_1168 = arith.index_cast %arg0 : i32 to index
      %get3A_1169 = arith.index_cast %scan3A_1167 : i32 to index
      %get3A_1170 = memref.load %arg11[%get3A_1168, %get3A_1169] : memref<64x128xi32, #tpu.memory_space<smem>>
      %get3A_1171 = arith.index_cast %get3A_1170 : i32 to index
      %get3A_1172 = arith.constant 0 : index
      %get3A_1173 = vector.load %arg1[%get3A_1171, %get3A_1172] : memref<4096x768xf32, #tpu.memory_space<vmem>>, vector<1x768xf32>
      %swap3A_1174 = arith.index_cast %scan3A_1167 : i32 to index
      %swap3A_1175 = arith.constant 0 : index
      %swap3A_1176 = vector.load %arg14[%swap3A_1174, %swap3A_1175] : memref<128x768xf32, #tpu.memory_space<vmem>>, vector<1x768xf32>
      tpu.vector_store %arg14[%swap3A_1174, %swap3A_1175], %get3A_1173 {strides = array<i32>} : memref<128x768xf32, #tpu.memory_space<vmem>>, vector<1x768xf32>,
      %scan3A_1177 = arith.constant 117 : i32
      %get3A_1178 = arith.index_cast %arg0 : i32 to index
      %get3A_1179 = arith.index_cast %scan3A_1177 : i32 to index
      %get3A_1180 = memref.load %arg11[%get3A_1178, %get3A_1179] : memref<64x128xi32, #tpu.memory_space<smem>>
      %get3A_1181 = arith.index_cast %get3A_1180 : i32 to index
      %get3A_1182 = arith.constant 0 : index
      %get3A_1183 = vector.load %arg1[%get3A_1181, %get3A_1182] : memref<4096x768xf32, #tpu.memory_space<vmem>>, vector<1x768xf32>
      %swap3A_1184 = arith.index_cast %scan3A_1177 : i32 to index
      %swap3A_1185 = arith.constant 0 : index
      %swap3A_1186 = vector.load %arg14[%swap3A_1184, %swap3A_1185] : memref<128x768xf32, #tpu.memory_space<vmem>>, vector<1x768xf32>
      tpu.vector_store %arg14[%swap3A_1184, %swap3A_1185], %get3A_1183 {strides = array<i32>} : memref<128x768xf32, #tpu.memory_space<vmem>>, vector<1x768xf32>,
      %scan3A_1187 = arith.constant 118 : i32
      %get3A_1188 = arith.index_cast %arg0 : i32 to index
      %get3A_1189 = arith.index_cast %scan3A_1187 : i32 to index
      %get3A_1190 = memref.load %arg11[%get3A_1188, %get3A_1189] : memref<64x128xi32, #tpu.memory_space<smem>>
      %get3A_1191 = arith.index_cast %get3A_1190 : i32 to index
      %get3A_1192 = arith.constant 0 : index
      %get3A_1193 = vector.load %arg1[%get3A_1191, %get3A_1192] : memref<4096x768xf32, #tpu.memory_space<vmem>>, vector<1x768xf32>
      %swap3A_1194 = arith.index_cast %scan3A_1187 : i32 to index
      %swap3A_1195 = arith.constant 0 : index
      %swap3A_1196 = vector.load %arg14[%swap3A_1194, %swap3A_1195] : memref<128x768xf32, #tpu.memory_space<vmem>>, vector<1x768xf32>
      tpu.vector_store %arg14[%swap3A_1194, %swap3A_1195], %get3A_1193 {strides = array<i32>} : memref<128x768xf32, #tpu.memory_space<vmem>>, vector<1x768xf32>,
      %scan3A_1197 = arith.constant 119 : i32
      %get3A_1198 = arith.index_cast %arg0 : i32 to index
      %get3A_1199 = arith.index_cast %scan3A_1197 : i32 to index
      %get3A_1200 = memref.load %arg11[%get3A_1198, %get3A_1199] : memref<64x128xi32, #tpu.memory_space<smem>>
      %get3A_1201 = arith.index_cast %get3A_1200 : i32 to index
      %get3A_1202 = arith.constant 0 : index
      %get3A_1203 = vector.load %arg1[%get3A_1201, %get3A_1202] : memref<4096x768xf32, #tpu.memory_space<vmem>>, vector<1x768xf32>
      %swap3A_1204 = arith.index_cast %scan3A_1197 : i32 to index
      %swap3A_1205 = arith.constant 0 : index
      %swap3A_1206 = vector.load %arg14[%swap3A_1204, %swap3A_1205] : memref<128x768xf32, #tpu.memory_space<vmem>>, vector<1x768xf32>
      tpu.vector_store %arg14[%swap3A_1204, %swap3A_1205], %get3A_1203 {strides = array<i32>} : memref<128x768xf32, #tpu.memory_space<vmem>>, vector<1x768xf32>,
      %scan3A_1207 = arith.constant 120 : i32
      %get3A_1208 = arith.index_cast %arg0 : i32 to index
      %get3A_1209 = arith.index_cast %scan3A_1207 : i32 to index
      %get3A_1210 = memref.load %arg11[%get3A_1208, %get3A_1209] : memref<64x128xi32, #tpu.memory_space<smem>>
      %get3A_1211 = arith.index_cast %get3A_1210 : i32 to index
      %get3A_1212 = arith.constant 0 : index
      %get3A_1213 = vector.load %arg1[%get3A_1211, %get3A_1212] : memref<4096x768xf32, #tpu.memory_space<vmem>>, vector<1x768xf32>
      %swap3A_1214 = arith.index_cast %scan3A_1207 : i32 to index
      %swap3A_1215 = arith.constant 0 : index
      %swap3A_1216 = vector.load %arg14[%swap3A_1214, %swap3A_1215] : memref<128x768xf32, #tpu.memory_space<vmem>>, vector<1x768xf32>
      tpu.vector_store %arg14[%swap3A_1214, %swap3A_1215], %get3A_1213 {strides = array<i32>} : memref<128x768xf32, #tpu.memory_space<vmem>>, vector<1x768xf32>,
      %scan3A_1217 = arith.constant 121 : i32
      %get3A_1218 = arith.index_cast %arg0 : i32 to index
      %get3A_1219 = arith.index_cast %scan3A_1217 : i32 to index
      %get3A_1220 = memref.load %arg11[%get3A_1218, %get3A_1219] : memref<64x128xi32, #tpu.memory_space<smem>>
      %get3A_1221 = arith.index_cast %get3A_1220 : i32 to index
      %get3A_1222 = arith.constant 0 : index
      %get3A_1223 = vector.load %arg1[%get3A_1221, %get3A_1222] : memref<4096x768xf32, #tpu.memory_space<vmem>>, vector<1x768xf32>
      %swap3A_1224 = arith.index_cast %scan3A_1217 : i32 to index
      %swap3A_1225 = arith.constant 0 : index
      %swap3A_1226 = vector.load %arg14[%swap3A_1224, %swap3A_1225] : memref<128x768xf32, #tpu.memory_space<vmem>>, vector<1x768xf32>
      tpu.vector_store %arg14[%swap3A_1224, %swap3A_1225], %get3A_1223 {strides = array<i32>} : memref<128x768xf32, #tpu.memory_space<vmem>>, vector<1x768xf32>,
      %scan3A_1227 = arith.constant 122 : i32
      %get3A_1228 = arith.index_cast %arg0 : i32 to index
      %get3A_1229 = arith.index_cast %scan3A_1227 : i32 to index
      %get3A_1230 = memref.load %arg11[%get3A_1228, %get3A_1229] : memref<64x128xi32, #tpu.memory_space<smem>>
      %get3A_1231 = arith.index_cast %get3A_1230 : i32 to index
      %get3A_1232 = arith.constant 0 : index
      %get3A_1233 = vector.load %arg1[%get3A_1231, %get3A_1232] : memref<4096x768xf32, #tpu.memory_space<vmem>>, vector<1x768xf32>
      %swap3A_1234 = arith.index_cast %scan3A_1227 : i32 to index
      %swap3A_1235 = arith.constant 0 : index
      %swap3A_1236 = vector.load %arg14[%swap3A_1234, %swap3A_1235] : memref<128x768xf32, #tpu.memory_space<vmem>>, vector<1x768xf32>
      tpu.vector_store %arg14[%swap3A_1234, %swap3A_1235], %get3A_1233 {strides = array<i32>} : memref<128x768xf32, #tpu.memory_space<vmem>>, vector<1x768xf32>,
      %scan3A_1237 = arith.constant 123 : i32
      %get3A_1238 = arith.index_cast %arg0 : i32 to index
      %get3A_1239 = arith.index_cast %scan3A_1237 : i32 to index
      %get3A_1240 = memref.load %arg11[%get3A_1238, %get3A_1239] : memref<64x128xi32, #tpu.memory_space<smem>>
      %get3A_1241 = arith.index_cast %get3A_1240 : i32 to index
      %get3A_1242 = arith.constant 0 : index
      %get3A_1243 = vector.load %arg1[%get3A_1241, %get3A_1242] : memref<4096x768xf32, #tpu.memory_space<vmem>>, vector<1x768xf32>
      %swap3A_1244 = arith.index_cast %scan3A_1237 : i32 to index
      %swap3A_1245 = arith.constant 0 : index
      %swap3A_1246 = vector.load %arg14[%swap3A_1244, %swap3A_1245] : memref<128x768xf32, #tpu.memory_space<vmem>>, vector<1x768xf32>
      tpu.vector_store %arg14[%swap3A_1244, %swap3A_1245], %get3A_1243 {strides = array<i32>} : memref<128x768xf32, #tpu.memory_space<vmem>>, vector<1x768xf32>,
      %scan3A_1247 = arith.constant 124 : i32
      %get3A_1248 = arith.index_cast %arg0 : i32 to index
      %get3A_1249 = arith.index_cast %scan3A_1247 : i32 to index
      %get3A_1250 = memref.load %arg11[%get3A_1248, %get3A_1249] : memref<64x128xi32, #tpu.memory_space<smem>>
      %get3A_1251 = arith.index_cast %get3A_1250 : i32 to index
      %get3A_1252 = arith.constant 0 : index
      %get3A_1253 = vector.load %arg1[%get3A_1251, %get3A_1252] : memref<4096x768xf32, #tpu.memory_space<vmem>>, vector<1x768xf32>
      %swap3A_1254 = arith.index_cast %scan3A_1247 : i32 to index
      %swap3A_1255 = arith.constant 0 : index
      %swap3A_1256 = vector.load %arg14[%swap3A_1254, %swap3A_1255] : memref<128x768xf32, #tpu.memory_space<vmem>>, vector<1x768xf32>
      tpu.vector_store %arg14[%swap3A_1254, %swap3A_1255], %get3A_1253 {strides = array<i32>} : memref<128x768xf32, #tpu.memory_space<vmem>>, vector<1x768xf32>,
      %scan3A_1257 = arith.constant 125 : i32
      %get3A_1258 = arith.index_cast %arg0 : i32 to index
      %get3A_1259 = arith.index_cast %scan3A_1257 : i32 to index
      %get3A_1260 = memref.load %arg11[%get3A_1258, %get3A_1259] : memref<64x128xi32, #tpu.memory_space<smem>>
      %get3A_1261 = arith.index_cast %get3A_1260 : i32 to index
      %get3A_1262 = arith.constant 0 : index
      %get3A_1263 = vector.load %arg1[%get3A_1261, %get3A_1262] : memref<4096x768xf32, #tpu.memory_space<vmem>>, vector<1x768xf32>
      %swap3A_1264 = arith.index_cast %scan3A_1257 : i32 to index
      %swap3A_1265 = arith.constant 0 : index
      %swap3A_1266 = vector.load %arg14[%swap3A_1264, %swap3A_1265] : memref<128x768xf32, #tpu.memory_space<vmem>>, vector<1x768xf32>
      tpu.vector_store %arg14[%swap3A_1264, %swap3A_1265], %get3A_1263 {strides = array<i32>} : memref<128x768xf32, #tpu.memory_space<vmem>>, vector<1x768xf32>,
      %scan3A_1267 = arith.constant 126 : i32
      %get3A_1268 = arith.index_cast %arg0 : i32 to index
      %get3A_1269 = arith.index_cast %scan3A_1267 : i32 to index
      %get3A_1270 = memref.load %arg11[%get3A_1268, %get3A_1269] : memref<64x128xi32, #tpu.memory_space<smem>>
      %get3A_1271 = arith.index_cast %get3A_1270 : i32 to index
      %get3A_1272 = arith.constant 0 : index
      %get3A_1273 = vector.load %arg1[%get3A_1271, %get3A_1272] : memref<4096x768xf32, #tpu.memory_space<vmem>>, vector<1x768xf32>
      %swap3A_1274 = arith.index_cast %scan3A_1267 : i32 to index
      %swap3A_1275 = arith.constant 0 : index
      %swap3A_1276 = vector.load %arg14[%swap3A_1274, %swap3A_1275] : memref<128x768xf32, #tpu.memory_space<vmem>>, vector<1x768xf32>
      tpu.vector_store %arg14[%swap3A_1274, %swap3A_1275], %get3A_1273 {strides = array<i32>} : memref<128x768xf32, #tpu.memory_space<vmem>>, vector<1x768xf32>,
      %scan3A_1277 = arith.constant 127 : i32
      %get3A_1278 = arith.index_cast %arg0 : i32 to index
      %get3A_1279 = arith.index_cast %scan3A_1277 : i32 to index
      %get3A_1280 = memref.load %arg11[%get3A_1278, %get3A_1279] : memref<64x128xi32, #tpu.memory_space<smem>>
      %get3A_1281 = arith.index_cast %get3A_1280 : i32 to index
      %get3A_1282 = arith.constant 0 : index
      %get3A_1283 = vector.load %arg1[%get3A_1281, %get3A_1282] : memref<4096x768xf32, #tpu.memory_space<vmem>>, vector<1x768xf32>
      %swap3A_1284 = arith.index_cast %scan3A_1277 : i32 to index
      %swap3A_1285 = arith.constant 0 : index
      %swap3A_1286 = vector.load %arg14[%swap3A_1284, %swap3A_1285] : memref<128x768xf32, #tpu.memory_space<vmem>>, vector<1x768xf32>
      tpu.vector_store %arg14[%swap3A_1284, %swap3A_1285], %get3A_1283 {strides = array<i32>} : memref<128x768xf32, #tpu.memory_space<vmem>>, vector<1x768xf32>,
      %scan3A_1287 = arith.constant 128 : i32
      %get3A_1288 = arith.constant 0 : index
      %get3A_1289 = arith.constant 0 : index
      %get3A_1290 = vector.load %arg14[%get3A_1288, %get3A_1289] : memref<128x768xf32, #tpu.memory_space<vmem>>, vector<128x768xf32>
      %get3A_1291 = arith.constant 0 : index
      %get3A_1292 = arith.constant 0 : index
      %get3A_1293 = arith.constant 0 : index
      %get3A_1294 = vector.load %arg4[%get3A_1291, %get3A_1292, %get3A_1293] : memref<1x768x3072xf32, #tpu.memory_space<vmem>>, vector<1x768x3072xf32>
      %get3A_1295 = vector.shape_cast %get3A_1294 : vector<1x768x3072xf32> to vector<768x3072xf32>
      %dot_general3A = arith.constant dense<0.000000e+00> : vector<128x3072xf32>
      %dot_general3A_1296 = tpu.matmul %get3A_1290, %get3A_1295, %dot_general3A {dimension_numbers = #tpu.dot_dimension_numbers<[1], [0], [0], [1], [0, 0, 1, 1], [], []>, transpose_lhs_hint = false} : vector<128x768xf32>, vector<768x3072xf32>, vector<128x3072xf32> -> vector<128x3072xf32>
      %get3A_1297 = arith.constant 0 : index
      %get3A_1298 = arith.constant 0 : index
      %get3A_1299 = arith.constant 0 : index
      %get3A_1300 = vector.load %arg5[%get3A_1297, %get3A_1298, %get3A_1299] : memref<1x1x3072xf32, #tpu.memory_space<vmem>>, vector<1x1x3072xf32>
      %get3A_1301 = vector.shape_cast %get3A_1300 : vector<1x1x3072xf32> to vector<1x3072xf32>
      %add3A = vector.broadcast %get3A_1301 : vector<1x3072xf32> to vector<128x3072xf32>
      %add3A_1302 = arith.addf %dot_general3A_1296, %add3A : vector<128x3072xf32>
      %mul3A = arith.constant 5.000000e-01 : f32
      %mul3A_1303 = vector.broadcast %mul3A : f32 to vector<128x3072xf32>
      %mul3A_1304 = arith.mulf %mul3A_1303, %add3A_1302 : vector<128x3072xf32>
      %mul3A_1305 = arith.mulf %add3A_1302, %add3A_1302 : vector<128x3072xf32>
      %mul3A_1306 = arith.mulf %mul3A_1305, %add3A_1302 : vector<128x3072xf32>
      %mul3A_1307 = arith.constant 4.471500e-02 : f32
      %mul3A_1308 = vector.broadcast %mul3A_1307 : f32 to vector<128x3072xf32>
      %mul3A_1309 = arith.mulf %mul3A_1308, %mul3A_1306 : vector<128x3072xf32>
      %add3A_1310 = arith.addf %add3A_1302, %mul3A_1309 : vector<128x3072xf32>
      %mul3A_1311 = arith.constant 0.797884583 : f32
      %mul3A_1312 = vector.broadcast %mul3A_1311 : f32 to vector<128x3072xf32>
      %mul3A_1313 = arith.mulf %mul3A_1312, %add3A_1310 : vector<128x3072xf32>
      %tanh3A = math.tanh %mul3A_1313 : vector<128x3072xf32>
      %add3A_1314 = arith.constant 1.000000e+00 : f32
      %add3A_1315 = vector.broadcast %add3A_1314 : f32 to vector<128x3072xf32>
      %add3A_1316 = arith.addf %add3A_1315, %tanh3A : vector<128x3072xf32>
      %mul3A_1317 = arith.mulf %mul3A_1304, %add3A_1316 : vector<128x3072xf32>
      %get3A_1318 = arith.constant 0 : index
      %get3A_1319 = arith.constant 0 : index
      %get3A_1320 = arith.constant 0 : index
      %get3A_1321 = vector.load %arg6[%get3A_1318, %get3A_1319, %get3A_1320] : memref<1x3072x768xf32, #tpu.memory_space<vmem>>, vector<1x3072x768xf32>
      %get3A_1322 = vector.shape_cast %get3A_1321 : vector<1x3072x768xf32> to vector<3072x768xf32>
      %dot_general3A_1323 = arith.constant dense<0.000000e+00> : vector<128x768xf32>
      %dot_general3A_1324 = tpu.matmul %mul3A_1317, %get3A_1322, %dot_general3A_1323 {dimension_numbers = #tpu.dot_dimension_numbers<[1], [0], [0], [1], [0, 0, 1, 1], [], []>, transpose_lhs_hint = false} : vector<128x3072xf32>, vector<3072x768xf32>, vector<128x768xf32> -> vector<128x768xf32>
      %get3A_1325 = arith.constant 0 : index
      %get3A_1326 = arith.constant 0 : index
      %get3A_1327 = arith.constant 0 : index
      %get3A_1328 = vector.load %arg7[%get3A_1325, %get3A_1326, %get3A_1327] : memref<1x1x768xf32, #tpu.memory_space<vmem>>, vector<1x1x768xf32>
      %get3A_1329 = vector.shape_cast %get3A_1328 : vector<1x1x768xf32> to vector<1x768xf32>
      %add3A_1330 = vector.broadcast %get3A_1329 : vector<1x768xf32> to vector<128x768xf32>
      %add3A_1331 = arith.addf %dot_general3A_1324, %add3A_1330 : vector<128x768xf32>
      %get3A_1332 = arith.index_cast %arg0 : i32 to index
      %get3A_1333 = arith.constant 0 : index
      %get3A_1334 = vector.load %arg12[%get3A_1332, %get3A_1333] : memref<64x128xf32, #tpu.memory_space<vmem>>, vector<1x128xf32>
      %reshape3A = vector.shape_cast %get3A_1334 : vector<1x128xf32> to vector<128xf32>
      %broadcast_in_dim3A = vector.shape_cast %reshape3A : vector<128xf32> to vector<128x1xf32>
      %mul3A_1335 = vector.broadcast %broadcast_in_dim3A : vector<128x1xf32> to vector<128x768xf32>
      %mul3A_1336 = arith.mulf %add3A_1331, %mul3A_1335 : vector<128x768xf32>
      %jit3A = arith.constant 4 : i32
      %eq3A_1337 = arith.constant 0 : i32
      %eq3A_1338 = arith.cmpi eq, %jit3A, %eq3A_1337 : i32
      %jit3A_1339 = arith.constant 1 : i32
      %select_n3A = arith.select %eq3A_1338, %jit3A_1339, %jit3A : i32
      %rem3A = arith.remsi %arg0, %select_n3A : i32
      %ne3A = arith.constant 0 : i32
      %ne3A_1340 = arith.cmpi ne, %rem3A, %ne3A : i32
      %lt3A_1341 = arith.constant 0 : i32
      %lt3A_1342 = arith.cmpi slt, %rem3A, %lt3A_1341 : i32
      %lt3A_1343 = arith.constant 0 : i32
      %lt3A_1344 = arith.cmpi slt, %select_n3A, %lt3A_1343 : i32
      %ne3A_1345 = arith.xori %lt3A_1342, %lt3A_1344 : i1
      %and3A = arith.andi %ne3A_1345, %ne3A_1340 : i1
      %add3A_1346 = arith.addi %rem3A, %select_n3A : i32
      %select_n3A_1347 = arith.select %and3A, %add3A_1346, %rem3A : i32
      %mul3A_1348 = arith.constant 128 : i32
      %mul3A_1349 = arith.muli %select_n3A_1347, %mul3A_1348 : i32
      %swap3A_1350 = arith.index_cast %mul3A_1349 : i32 to index
      %swap3A_1351 = arith.constant 0 : index
      %swap3A_1352 = vector.load %arg8[%swap3A_1350, %swap3A_1351] : memref<512x768xf32, #tpu.memory_space<vmem>>, vector<128x768xf32>
      tpu.vector_store %arg8[%swap3A_1350, %swap3A_1351], %mul3A_1336 {strides = array<i32>} : memref<512x768xf32, #tpu.memory_space<vmem>>, vector<128x768xf32>,
    } else {
    }
    %ge3A = arith.constant 64 : i32
    %ge3A_6 = arith.cmpi sge, %arg0, %ge3A : i32
    %convert_element_type3A_7 = arith.extui %ge3A_6 : i1 to i32
    %cond3A_8 = arith.constant 0 : i32
    %cond3A_9 = arith.cmpi ne, %convert_element_type3A_7, %cond3A_8 : i32
    scf.if %cond3A_9 {
      %sub3A = arith.constant 64 : i32
      %sub3A_10 = arith.subi %arg0, %sub3A : i32
      %mul3A = arith.constant 512 : i32
      %mul3A_11 = arith.muli %sub3A_10, %mul3A : i32
      %get3A = arith.index_cast %mul3A_11 : i32 to index
      %get3A_12 = arith.constant 0 : index
      %get3A_13 = vector.load %arg1[%get3A, %get3A_12] : memref<4096x768xf32, #tpu.memory_space<vmem>>, vector<512x768xf32>
      %get3A_14 = arith.index_cast %mul3A_11 : i32 to index
      %get3A_15 = arith.constant 0 : index
      %get3A_16 = vector.load %arg13[%get3A_14, %get3A_15] : memref<4096x1xf32, #tpu.memory_space<vmem>>, vector<512x1xf32>
      %mul3A_17 = vector.broadcast %get3A_16 : vector<512x1xf32> to vector<512x768xf32>
      %mul3A_18 = arith.mulf %get3A_13, %mul3A_17 : vector<512x768xf32>
      %swap3A = arith.constant 0 : index
      %swap3A_19 = arith.constant 0 : index
      %swap3A_20 = vector.load %arg8[%swap3A, %swap3A_19] : memref<512x768xf32, #tpu.memory_space<vmem>>, vector<512x768xf32>
      tpu.vector_store %arg8[%swap3A, %swap3A_19], %mul3A_18 {strides = array<i32>} : memref<512x768xf32, #tpu.memory_space<vmem>>, vector<512x768xf32>,
    } else {
    }
    return
  }
  func.func @transform_0(%arg0: i32) -> (i32, i32) {
    %c0_i32 = arith.constant 0 : i32
    %c0_i32_0 = arith.constant 0 : i32
    %c0_i32_1 = arith.constant 0 : i32
    return %c0_i32, %c0_i32_0 : i32, i32
  }
  func.func @transform_1(%arg0: i32) -> (i32, i32) {
    %c0_i32 = arith.constant 0 : i32
    %c0_i32_0 = arith.constant 0 : i32
    %c0_i32_1 = arith.constant 0 : i32
    return %c0_i32, %c0_i32_0 : i32, i32
  }
  func.func @transform_2(%arg0: i32) -> (i32, i32) {
    %c0_i32 = arith.constant 0 : i32
    %c0_i32_0 = arith.constant 0 : i32
    %c0_i32_1 = arith.constant 0 : i32
    return %c0_i32, %c0_i32_0 : i32, i32
  }
  func.func @transform_3(%arg0: i32) -> (i32, i32, i32) {
    %min3A = arith.constant 63 : i32
    %min3A_0 = arith.minsi %arg0, %min3A : i32
    %c0_i32 = arith.constant 0 : i32
    %c0_i32_1 = arith.constant 0 : i32
    %c0_i32_2 = arith.constant 0 : i32
    return %min3A_0, %c0_i32, %c0_i32_1 : i32, i32, i32
  }
  func.func @transform_4(%arg0: i32) -> (i32, i32, i32) {
    %min3A = arith.constant 63 : i32
    %min3A_0 = arith.minsi %arg0, %min3A : i32
    %c0_i32 = arith.constant 0 : i32
    %c0_i32_1 = arith.constant 0 : i32
    %c0_i32_2 = arith.constant 0 : i32
    return %min3A_0, %c0_i32, %c0_i32_1 : i32, i32, i32
  }
  func.func @transform_5(%arg0: i32) -> (i32, i32, i32) {
    %min3A = arith.constant 63 : i32
    %min3A_0 = arith.minsi %arg0, %min3A : i32
    %c0_i32 = arith.constant 0 : i32
    %c0_i32_1 = arith.constant 0 : i32
    %c0_i32_2 = arith.constant 0 : i32
    return %min3A_0, %c0_i32, %c0_i32_1 : i32, i32, i32
  }
  func.func @transform_6(%arg0: i32) -> (i32, i32, i32) {
    %min3A = arith.constant 63 : i32
    %min3A_0 = arith.minsi %arg0, %min3A : i32
    %c0_i32 = arith.constant 0 : i32
    %c0_i32_1 = arith.constant 0 : i32
    %c0_i32_2 = arith.constant 0 : i32
    return %min3A_0, %c0_i32, %c0_i32_1 : i32, i32, i32
  }
  func.func @transform_7(%arg0: i32) -> (i32, i32) {
    %lt3A = arith.constant 64 : i32
    %lt3A_0 = arith.cmpi slt, %arg0, %lt3A : i32
    %jit3A = arith.constant 4 : i32
    %div3A = arith.divsi %arg0, %jit3A : i32
    %sign3A = arith.constant 0 : i32
    %sign3A_1 = arith.cmpi sgt, %arg0, %sign3A : i32
    %sign3A_2 = arith.extui %sign3A_1 : i1 to i32
    %sign3A_3 = arith.constant 0 : i32
    %sign3A_4 = arith.cmpi slt, %arg0, %sign3A_3 : i32
    %sign3A_5 = arith.extui %sign3A_4 : i1 to i32
    %sign3A_6 = arith.subi %sign3A_2, %sign3A_5 : i32
    %sign3A_7 = arith.constant 0 : i32
    %sign3A_8 = arith.cmpi sgt, %jit3A, %sign3A_7 : i32
    %sign3A_9 = arith.extui %sign3A_8 : i1 to i32
    %sign3A_10 = arith.constant 0 : i32
    %sign3A_11 = arith.cmpi slt, %jit3A, %sign3A_10 : i32
    %sign3A_12 = arith.extui %sign3A_11 : i1 to i32
    %sign3A_13 = arith.subi %sign3A_9, %sign3A_12 : i32
    %ne3A = arith.cmpi ne, %sign3A_6, %sign3A_13 : i32
    %rem3A = arith.remsi %arg0, %jit3A : i32
    %ne3A_14 = arith.constant 0 : i32
    %ne3A_15 = arith.cmpi ne, %rem3A, %ne3A_14 : i32
    %and3A = arith.andi %ne3A, %ne3A_15 : i1
    %sub3A = arith.constant 1 : i32
    %sub3A_16 = arith.subi %div3A, %sub3A : i32
    %select_n3A = arith.select %and3A, %sub3A_16, %div3A : i32
    %sub3A_17 = arith.constant 48 : i32
    %sub3A_18 = arith.subi %arg0, %sub3A_17 : i32
    %select_n3A_19 = arith.select %lt3A_0, %select_n3A, %sub3A_18 : i32
    %c0_i32 = arith.constant 0 : i32
    %c0_i32_20 = arith.constant 0 : i32
    return %select_n3A_19, %c0_i32 : i32, i32
  }
  func.func @transform_8(%arg0: i32) -> (i32, i32) {
    %c0_i32 = arith.constant 0 : i32
    %c0_i32_0 = arith.constant 0 : i32
    %c0_i32_1 = arith.constant 0 : i32
    return %c0_i32, %c0_i32_0 : i32, i32
  }
}

</mosaic_0001>

<sc_bundles>
// kernel: kernel.4.cloned.1.call-start
scs
__scs_entry_jumppad:
0x0: {  	(pc) =	sbr.rel $0x88, $3  }
0x1: {  	(tag) =	ssettag $0x0;
	lr =	simm.s32 $0x1  }
0x2: {  	[smem:$0x3F9A] =	sst lr;
	_ =	strace $0xD0000000  }
0x3: {  	_ = 	snop  }
0x4: {  	_ = 	snop  }
0x5: {  	_ = 	snop  }
0x6: {  	_ = 	snop  }
0x7: {  	_ = 	snop  }
__scs_overlays_trampoline_lowered:
0x8: {  	[smem:$0x3FA9] =	sst s0  }
0x9: {  	[smem:$0x3FAA] =	sst s1  }
0xa: {  	[smem:$0x3FAB] =	sst s2  }
0xb: {  	[smem:$0x3FAC] =	sst s3  }
0xc: {  	[smem:$0x3FAD] =	sst s4  }
0xd: {  	[smem:$0x3FAE] =	sst s5  }
0xe: {  	[smem:$0x3FAF] =	sst s6  }
0xf: {  	[smem:$0x3FB0] =	sst s7  }
0x10: {  	[smem:$0x3FB1] =	sst s8  }
0x11: {  	[smem:$0x3FB2] =	sst s9;
	s0 =	simm.s32 @!p0 $0x0  }
0x12: {  	s1 =	sld [smem:$0x3F98];
	s0 =	simm.s32 @p0 $0x1  }
0x13: {  	[smem:$0x3FB3] =	sst s0;
	s0 =	simm.s32 @!p1 $0x0  }
0x14: {  	s2 =	sld [smem:$0x3F97];
	s0 =	simm.s32 @p1 $0x1  }
0x15: {  	[smem:$0x3FB4] =	sst s0;
	s0 =	simm.s32 @!p2 $0x0  }
0x16: {  	s3 =	sld [smem:$0x3FDB];
	s0 =	simm.s32 @p2 $0x1  }
0x17: {  	s4 =	simm.s32 $0x1BF5;
	[smem:$0x3FB6] =	sst s0  }
0x18: {  	s0 =	sld [smem:$0x3F99];
	_ =	swait.ge [sflag:s4], $0x0  }
0x19: {  	s7 =	sld [smem:$0x3F9A]  }
0x1a: {  	s8 =	sadd.s32 $0xFFFFE003, lr  }
0x1b: {  	s9 =	sadd.s32 $0xFFFFFEF7, lr;
	s5 =	simm.s32 $0xFFFFFFFF;
	p2 =	slt.u32 s8, $0xFFFFF086  }
0x1c: {  	p1 =	slt.u32 s9, $0xF7A;
	s5 =	simm.s32 @!p2 $0x0  }
0x1d: {  	s5 =	simm.s32 @p1 $0x1;
	p0 =	seq.s32 s7, s2  }
0x1e: {  	s7 =	smul.u32 @!p0 $0xF7A, s2;
	p2 =	seq.s32 @!p0 s5, $0x0  }
0x1f: {  	s9 =	smul.u32 $0xF7A, s1;
	s8 =	simm.s32 @!p0 $0x1BF5;
	p2 =	por !p2, p0  }
0x20: {  	[sflag:s8] =	ssyncset.s32 @!p0 $0xFFFFF086;
	s6 =	sadd.s32 @!p0 s3, s7;
	s7 =	simm.s32 @!p0 $0x108  }
0x21: {  	s3 =	sadd.s32 s3, s9;
	s6 =	sadd.s32 @!p0 $0x88, s6;
	s7 =	simm.s32 @p2 $0x1082  }
0x22: {  	[simem:s7], [sflag:s8] =	dma.local @!p0 [hbm:s6], $0xF7A  }
0x23: {  	s9 =	sor.u32 $0xD0000000, s2;
	s6 =	simm.s32 $0x108;
	_ =	swait.ge @!p0 [sflag:s8], $0x0  }
0x24: {  	s3 =	sadd.s32 $0x88, s3;
	s6 =	simm.s32 @!p1 $0x1082;
	[sflag:s4] =	ssyncset.s32 $0xFFFFF086  }
0x25: {  	[simem:s6], [sflag:s4] =	dma.local [hbm:s3], $0xF7A  }
0x26: {  	[smem:$0x3F9A] =	sst s1;
	(tag) =	ssettag s2;
	_ =	strace s9  }
0x27: {  	s1 =	sld [smem:$0x3FAA]  }
0x28: {  	s2 =	sld [smem:$0x3FAB]  }
0x29: {  	s4 =	sld [smem:$0x3FAD]  }
0x2a: {  	p0 =	seq.s32 s5, $0x0;
	s5 =	sld [smem:$0x3FAE]  }
0x2b: {  	s6 =	sld [smem:$0x3FAF]  }
0x2c: {  	s7 =	sld [smem:$0x3FB0]  }
0x2d: {  	s3 =	simm.s32 $0x108;
	s8 =	sld [smem:$0x3FB1]  }
0x2e: {  	s3 =	simm.s32 @!p0 $0x1082;
	s9 =	sld [smem:$0x3FB2]  }
0x2f: {  	lr =	sadd.s32 s0, s3;
	s0 =	sld [smem:$0x3FA9]  }
0x30: {  	s3 =	sld [smem:$0x3FAC]  }
0x31: {  	[smem:$0x3FB5] =	sst s10  }
0x32: {  	s10 =	sld [smem:$0x3FB3];
	_ =	sdelay $0x3  }
0x33: {  	p0 =	seq.s32 s10, $0x1;
	s10 =	sld [smem:$0x3FB5];
	_ =	sdelay $0x3  }
0x34: {  	[smem:$0x3FB5] =	sst s10  }
0x35: {  	s10 =	sld [smem:$0x3FB4];
	_ =	sdelay $0x3  }
0x36: {  	p1 =	seq.s32 s10, $0x1;
	s10 =	sld [smem:$0x3FB5];
	_ =	sdelay $0x3  }
0x37: {  	[smem:$0x3FB5] =	sst s10  }
0x38: {  	s10 =	sld [smem:$0x3FB6]  }
0x39: {  	_ = 	snop;
	(pc) =	sbr.ind lr, $3  }
0x3a: {  	_ = 	snop  }
0x3b: {  	_ = 	snop  }
0x3c: {  	p2 =	seq.s32 s10, $0x1;
	s10 =	sld [smem:$0x3FB5]  }
0x3d: {  	_ =	shalt  }
0x3e: {  	_ =	shalt  }
0x3f: {  	_ =	shalt  }
0x40: {  	_ =	shalt  }
0x41: {  	_ =	shalt  }
0x42: {  	_ =	shalt  }
0x43: {  	_ =	shalt  }
0x44: {  	_ =	shalt  }
0x45: {  	_ =	shalt  }
0x46: {  	_ =	shalt  }
0x47: {  	_ =	shalt  }
0x48: {  	_ =	shalt  }
0x49: {  	_ =	shalt  }
0x4a: {  	_ =	shalt  }
0x4b: {  	_ =	shalt  }
0x4c: {  	_ =	shalt  }
0x4d: {  	_ =	shalt  }
0x4e: {  	_ =	shalt  }
0x4f: {  	_ =	shalt  }
0x50: {  	_ =	shalt  }
0x51: {  	_ =	shalt  }
0x52: {  	_ =	shalt  }
0x53: {  	_ =	shalt  }
0x54: {  	_ =	shalt  }
0x55: {  	_ =	shalt  }
0x56: {  	_ =	shalt  }
0x57: {  	_ =	shalt  }
0x58: {  	_ =	shalt  }
0x59: {  	_ =	shalt  }
0x5a: {  	_ =	shalt  }
0x5b: {  	_ =	shalt  }
0x5c: {  	_ =	shalt  }
0x5d: {  	_ =	shalt  }
0x5e: {  	_ =	shalt  }
0x5f: {  	_ =	shalt  }
0x60: {  	_ =	shalt  }
0x61: {  	_ =	shalt  }
0x62: {  	_ =	shalt  }
0x63: {  	_ =	shalt  }
0x64: {  	_ =	shalt  }
0x65: {  	_ =	shalt  }
0x66: {  	_ =	shalt  }
0x67: {  	_ =	shalt  }
0x68: {  	_ =	shalt  }
0x69: {  	_ =	shalt  }
0x6a: {  	_ =	shalt  }
0x6b: {  	_ =	shalt  }
0x6c: {  	_ =	shalt  }
0x6d: {  	_ =	shalt  }
0x6e: {  	_ =	shalt  }
0x6f: {  	_ =	shalt  }
0x70: {  	_ =	shalt  }
0x71: {  	_ =	shalt  }
0x72: {  	_ =	shalt  }
0x73: {  	_ =	shalt  }
0x74: {  	_ =	shalt  }
0x75: {  	_ =	shalt  }
0x76: {  	_ =	shalt  }
0x77: {  	_ =	shalt  }
0x78: {  	_ =	shalt  }
0x79: {  	_ =	shalt  }
0x7a: {  	_ =	shalt  }
0x7b: {  	_ =	shalt  }
0x7c: {  	_ =	shalt  }
0x7d: {  	_ =	shalt  }
0x7e: {  	_ =	shalt  }
0x7f: {  	_ =	shalt  }
0x80: {  	_ =	shalt  }
0x81: {  	_ =	shalt  }
0x82: {  	_ =	shalt  }
0x83: {  	_ =	shalt  }
0x84: {  	_ =	shalt  }
0x85: {  	_ =	shalt  }
0x86: {  	_ =	shalt  }
0x87: {  	_ =	shalt  }
.Lfunc_end0:
.L_simem_size_0:
called_computation_lowered:
.L_overlay_start_0:
0x88: {  	s2 =	sld [smem:$0x3FD9]  }
0x89: {  	s3 =	sld [smem:$0x3FFE];
	_ =	sdelay $0x1  }
0x8a: {  	s1 =	srdreg.scid  }
0x8b: {  	s0 =	sand.u32 $0x1, s1  }
0x8c: {  	s17 =	sshll.u32 s0, $0xA;
	s2 =	sadd.s32 s3, s2  }
0x8d: {  	s2 =	sadd.s32 s2, s17  }
0x8e: {  	[smem:$0x3FC1] =	sst s2  }
0x8f: {  	_ = 	snop  }
0x90: {  	s2 =	sld [smem:$0x3FD0];
	(tm) =	ssettm $0x1  }
0x91: {  	s18 =	sld [smem:$0x3FFB];
	_ =	sdelay $0x3  }
0x92: {  	_ =	strace s18  }
0x93: {  	s3 =	sld [smem:$0x3FFC];
	_ =	sdelay $0x3  }
0x94: {  	_ =	strace s3  }
0x95: {  	s3 =	sld [smem:$0x3FFD];
	_ =	sdelay $0x3  }
0x96: {  	_ =	strace s3  }
0x97: {  	_ =	strace $0x8FFFFFFF  }
0x98: {  	s19 =	sld [smem:$0x3FDB];
	_ =	sdelay $0x1  }
0x99: {  	s4 =	simm.s32 $_scs_section_size  }
0x9a: {  	s5 =	simm.s32 $_size__tile_overlayer_lowered;
	s6 =	simm.s32 $_tile_overlayer_lowered  }
0x9b: {  	s22 =	simm.s32 $0x1BFF;
	s21 =	sshll.u32 s6, $0x1;
	s3 =	sadd.s32 s4, s19  }
0x9c: {  	s7 =	simm.s32 $0x0;
	s20 =	sshll.u32 s5, $0x1;
	s5 =	sadd.s32 s21, s3  }
0x9d: {  	[timem:s7], [sflag:s22] =	dma.local [hbm:s5], s20  }
0x9e: {  	_ =	swait.ge [sflag:s22], s20  }
0x9f: {  	s4 =	ssub.s32 $0x0, s20;
	[sflag:s22] =	ssyncset.done $0x0  }
0xa0: {  	[sflag:s22] =	ssyncadd.s32 s4;
	_ =	sdelay $0x1  }
0xa1: {  	s23 =	simm.s32 $0x1B8B  }
0xa2: {  	_ =	swait.ge [sflag:s23], $0x1  }
0xa3: {  	[sflag:s23] =	ssyncset.done $0x0  }
0xa4: {  	s25 =	simm.s32 $0x1B8E;
	s24 =	sld [smem:$0x3FFE];
	[sflag:s23] =	ssyncadd.s32 $0xFFFFFFFF  }
0xa5: {  	s26 =	simm.s32 $execute0_lowered;
	[smem:$0x3FD2] =	sst s25  }
0xa6: {  	s5 =	sshll.u32 s26, $0x1;
	_ =	strace $0x80000046;
	[dreg:$0x1] =	wrdreg $0xFFFFFFFF  }
0xa7: {  	s28 =	simm.s32 $_size_execute0_lowered;
	s3 =	sadd.s32 s3, s5;
	[dreg:$0x0] =	wrdreg $0x0  }
0xa8: {  	s5 =	sshll.u32 s28, $0x1;
	[dreg:$0x2] =	wrdreg s3  }
0xa9: {  	[dreg:$0x3] =	wrdreg s5  }
0xaa: {  	[dreg:$0x4] =	wrdreg $0xC0  }
0xab: {  	_ =	task [dreg:s7], $0x5FFFF  }
0xac: {  	[dreg:$0x1] =	wrdreg $0xFFFFFFFF  }
0xad: {  	[dreg:$0x0] =	wrdreg $0x60  }
0xae: {  	[dreg:$0x2] =	wrdreg s24  }
0xaf: {  	[dreg:$0x3] =	wrdreg s2  }
0xb0: {  	[dreg:$0x4] =	wrdreg $0x9  }
0xb1: {  	_ =	task.clear_ibuf [dreg:s7], $0x5FFFF;
	_ =	strace $0x90000046  }
0xb2: {  	s29 =	simm.s32 $0x9;
	_ =	strace $0x80000048  }
0xb3: {  	_ =	swait.ge [sflag:s29], $0x1  }
0xb4: {  	[sflag:s29] =	ssyncadd.s32 $0xFFFFFFFF  }
0xb5: {  	_ =	strace $0x90000048  }
0xb6: {  	_ =	sfence  }
0xb7: {  	s30 =	sld [smem:$0x0];
	_ =	sdelay $0x2  }
0xb8: {  	s31 =	sshll.u32 s1, $0xD;
	s1 =	sshrl.u32 s1, $0x2  }
0xb9: {  	s3 =	sand.u32 $0x4000, s31;
	s1 =	sadd.s32 s1, s30  }
0xba: {  	s0 =	sor.u32 s3, s0;
	s1 =	sshll.u32 s1, $0x11  }
0xbb: {  	s0 =	sor.u32 s1, s0  }
0xbc: {  	s0 =	sadd.s32 $0x8F2B, s0  }
0xbd: {  	[sflag:s0] =	ssyncadd.remote.s32 $0x1  }
0xbe: {  	_ =	sfence.sel $0xFFFF  }
0xbf: {  	[dreg:$0x0] =	wrdreg $0xFFFFFFFF;
	(pc) =	sbr.abs _section_cstart, $3  }
0xc0: {  	[dreg:$0x1] =	wrdreg $0xFFFFFFFF  }
0xc1: {  	_ =	task.clear_ibuf [dreg:s7], $0x2FFFF;
	_ =	strace $0x9FFFFFFF  }
0xc2: {  	(tm) =	ssettm $0x7FFFFFFF  }
0xc3: {  	_ =	shalt  }
tec
execute0_lowered:
.L_overlay_start_1:
0x0: {  	(tag) =	ssettag $0x1  }
0x1: {  	s1 =	srdreg.scid  }
0x2: {  	s0 =	stileid.u32;
	s4 =	sand.u32 $0x1, s1  }
0x3: {  	s5 =	rddreg [dreg:$0x1];
	s2 =	sshll.u32 s0, $0x5;
	s3 =	sshll.u32 s4, $0x4  }
0x4: {  	s1 =	rddreg [dreg:$0x0];
	s3 =	sor.u32 s3, s2;
	s2 =	simm.s32 $0x0  }
0x5: {  	s21 =	simm.s32 $0x880;
	[smem:$0x7FF] =	sst s2  }
0x6: {  	s22 =	simm.s32 $0x1080;
	_ =	strace $0x80000047;
	[dreg:$0x6] =	wrdreg s21  }
0x7: {  	s23 =	simm.s32 $0x1880;
	[dreg:$0x7] =	wrdreg s22  }
0x8: {  	s24 =	simm.s32 $0x2080;
	[dreg:$0x8] =	wrdreg s23  }
0x9: {  	s25 =	simm.s32 $0x2880;
	[dreg:$0x9] =	wrdreg s24  }
0xa: {  	s26 =	simm.s32 $0x3080;
	[dreg:$0xa] =	wrdreg s25  }
0xb: {  	s0 =	simm.s32 $0x3880;
	[dreg:$0xb] =	wrdreg s26  }
0xc: {  	s8 =	simm.s32 $0x5880;
	[dreg:$0xc] =	wrdreg s0  }
0xd: {  	s9 =	simm.s32 $0x6080;
	[dreg:$0x10] =	wrdreg s8  }
0xe: {  	s10 =	simm.s32 $0x6880;
	s11 =	simm.s32 $0x7080;
	[dreg:$0x11] =	wrdreg s9  }
0xf: {  	s12 =	simm.s32 $0x7880;
	s13 =	simm.s32 $0x8080;
	[dreg:$0x12] =	wrdreg s10  }
0x10: {  	s14 =	simm.s32 $0x8880;
	s15 =	simm.s32 $0x9080;
	[dreg:$0x13] =	wrdreg s11  }
0x11: {  	s16 =	simm.s32 $0x9880;
	s17 =	simm.s32 $0xA080;
	[dreg:$0x14] =	wrdreg s12  }
0x12: {  	s18 =	simm.s32 $0xA880;
	s28 =	simm.s32 $0x17880;
	[dreg:$0x15] =	wrdreg s13  }
0x13: {  	s29 =	simm.s32 $0x1;
	s30 =	simm.s32 $0x2;
	[dreg:$0x16] =	wrdreg s14  }
0x14: {  	s31 =	simm.s32 $0x3;
	s4 =	ssub.s32 $0x2, s4;
	[dreg:$0x17] =	wrdreg s15  }
0x15: {  	s19 =	sshrl.u32 s4, $0x1;
	s6 =	smul.u32 $0x1800, s3;
	[dreg:$0x18] =	wrdreg s16  }
0x16: {  	s7 =	sadd.s32 s3, s1;
	s3 =	smul.u32 $0x300, s3;
	[dreg:$0x19] =	wrdreg s17  }
0x17: {  	s7 =	sadd.s32 $0x600, s7;
	[dreg:$0x1a] =	wrdreg s18;
	s21 =	simm.s32 $0xB880  }
0x18: {  	s22 =	simm.s32 $0xC880;
	s23 =	simm.s32 $0xD080;
	s24 =	simm.s32 $0xD880  }
0x19: {  	s25 =	simm.s32 $0xE080;
	s8 =	simm.s32 $0x80;
	s26 =	simm.s32 $0xE880  }
0x1a: {  	s9 =	simm.s32 $0xC080;
	s11 =	simm.s32 $0xF880;
	[dreg:$0x3] =	wrdreg s7  }
0x1b: {  	s12 =	simm.s32 $0x10080;
	s13 =	simm.s32 $0x10880;
	[dreg:$0x1c] =	wrdreg s21  }
0x1c: {  	s14 =	simm.s32 $0x11080;
	s15 =	simm.s32 $0x11880;
	[dreg:$0x1d] =	wrdreg s22  }
0x1d: {  	s16 =	simm.s32 $0x12080;
	s17 =	simm.s32 $0x12880;
	[dreg:$0x1e] =	wrdreg s23  }
0x1e: {  	s18 =	simm.s32 $0x13080;
	s6 =	sshrl.u32 s6, $0x3;
	[dreg:$0x1f] =	wrdreg s24  }
0x1f: {  	s3 =	sadd.s32 s5, s3;
	s7 =	simm.s32 $0x5080;
	[smem:$0x7FC] =	sst s25  }
0x20: {  	[smem:$0x7FD] =	sst s26;
	s21 =	simm.s32 $0x14880;
	s22 =	simm.s32 $0x15080  }
0x21: {  	s23 =	simm.s32 $0x15880;
	s24 =	simm.s32 $0x16080;
	s25 =	simm.s32 $0x16880  }
0x22: {  	s26 =	simm.s32 $0x17080;
	s5 =	sadd.s32 s5, s6;
	[dreg:$0x4] =	wrdreg s3  }
0x23: {  	s6 =	simm.s32 $0x4880;
	[dreg:$0xf] =	wrdreg s7;
	s3 =	sadd.s32 $0x5000, s1  }
0x24: {  	s7 =	simm.s32 $0x5;
	s20 =	sadd.s32 $0x1800, s5;
	[dreg:$0xe] =	wrdreg s6  }
0x25: {  	s5 =	simm.s32 $0x4080;
	s6 =	ssub.s32 s4, s19;
	[dreg:$0x5] =	wrdreg s20  }
0x26: {  	v2 =	vlaneseq.u32;
	s4 =	sadd.s32 $0x5100, s1;
	s19 =	simm.s32 $0x13880;
	[dreg:$0xd] =	wrdreg s5  }
0x27: {  	vm0 =	vmmov $0xffff;
	v1 =	vshrl.u32 v2, $0x3;
	s20 =	simm.s32 $0xB080;
	s5 =	sadd.s32 $0x5200, s1;
	s6 =	smax.u32 s6, $0x1  }
0x28: {  	v0 =	vand.u32 $0x7, v2;
	v2 =	vor.u32 $0x8, v2;
	v1 =	vmul.u32 $0x8, v1;
	s1 =	simm.s32 $0x4;
	[dreg:$0x1b] =	wrdreg s20;
	s20 =	simm.s32 $0x14080  }
.LBB2_1:
0x29: {  	s0 =	rddreg [dreg:$0x3]  }
0x2a: {  	[tilespmem:s2], [sflag:$0x5] =	stream.linear.gather [hbm4b:s0+s2], $0x80, $0x38;
	[tilespmem:$0x18080] =	vst v63  }
0x2b: {  	_ =	swait.ge [sflag:s7], $0x80  }
0x2c: {  	[sflag:s7] =	ssyncset.done $0x0  }
0x2d: {  	[sflag:s7] =	ssyncadd.s32 $0xFFFFFF80  }
0x2e: {  	v3 =	vld [tilespmem:$0x0];
	_ =	sdelay $0x4  }
0x2f: {  	v4 =	vshrl.u32 v3, $0x3  }
0x30: {  	v4 =	vmul.u32 $0x30, v4  }
0x31: {  	v3 =	vand.u32 $0x7, v3  }
0x32: {  	v3 =	vor.u32 v3, v4  }
0x33: {  	v4 =	vperm.xlane v3, v0;
	_ =	sdelay $0x1  }
0x34: {  	v4 =	vadd.s32 v1, v4;
	_ =	sdelay $0x3  }
0x35: {  	v3 =	vperm.xlane v3, v2  }
0x36: {  	[tilespmem:s8], [sflag:$0x1] =	stream.indirect_vreg.gather [hbm4b:s3+s2], $0x80, v4, vm0, $0xb8;
	[tilespmem:$0x18080] =	vst v63  }
0x37: {  	s0 =	rddreg [dreg:$0x6];
	v3 =	vadd.s32 v1, v3  }
0x38: {  	[tilespmem:s0], [sflag:$0x1] =	stream.indirect_vreg.gather [hbm4b:s4+s2], $0x80, v4, vm0, $0xb8;
	[tilespmem:$0x18080] =	vst v63  }
0x39: {  	s10 =	rddreg [dreg:$0x7]  }
0x3a: {  	[tilespmem:s10], [sflag:$0x1] =	stream.indirect_vreg.gather [hbm4b:s5+s2], $0x80, v4, vm0, $0xb8;
	[tilespmem:$0x18080] =	vst v63  }
0x3b: {  	s0 =	rddreg [dreg:$0x8]  }
0x3c: {  	[tilespmem:s0], [sflag:$0x1] =	stream.indirect_vreg.gather [hbm4b:s3+s2], $0x80, v3, vm0, $0xb8;
	[tilespmem:$0x18080] =	vst v63  }
0x3d: {  	s10 =	rddreg [dreg:$0x9]  }
0x3e: {  	[tilespmem:s10], [sflag:$0x1] =	stream.indirect_vreg.gather [hbm4b:s4+s2], $0x80, v3, vm0, $0xb8;
	[tilespmem:$0x18080] =	vst v63  }
0x3f: {  	s0 =	rddreg [dreg:$0xa]  }
0x40: {  	[tilespmem:s0], [sflag:$0x1] =	stream.indirect_vreg.gather [hbm4b:s5+s2], $0x80, v3, vm0, $0xb8;
	[tilespmem:$0x18080] =	vst v63  }
0x41: {  	v3 =	vld [tilespmem:$0x10];
	_ =	sdelay $0x4  }
0x42: {  	v57 =	vshrl.u32 v3, $0x3  }
0x43: {  	v4 =	vmul.u32 $0x30, v57  }
0x44: {  	v3 =	vand.u32 $0x7, v3  }
0x45: {  	v3 =	vor.u32 v3, v4  }
0x46: {  	v4 =	vperm.xlane v3, v0;
	_ =	sdelay $0x1  }
0x47: {  	v4 =	vadd.s32 v1, v4;
	_ =	sdelay $0x3  }
0x48: {  	s0 =	rddreg [dreg:$0xb];
	v3 =	vperm.xlane v3, v2  }
0x49: {  	[tilespmem:s0], [sflag:$0x1] =	stream.indirect_vreg.gather [hbm4b:s3+s2], $0x80, v4, vm0, $0xb8;
	[tilespmem:$0x18080] =	vst v63  }
0x4a: {  	s10 =	rddreg [dreg:$0xc];
	v3 =	vadd.s32 v1, v3  }
0x4b: {  	[tilespmem:s10], [sflag:$0x1] =	stream.indirect_vreg.gather [hbm4b:s4+s2], $0x80, v4, vm0, $0xb8;
	[tilespmem:$0x18080] =	vst v63  }
0x4c: {  	s0 =	rddreg [dreg:$0xd]  }
0x4d: {  	[tilespmem:s0], [sflag:$0x1] =	stream.indirect_vreg.gather [hbm4b:s5+s2], $0x80, v4, vm0, $0xb8;
	[tilespmem:$0x18080] =	vst v63  }
0x4e: {  	s10 =	rddreg [dreg:$0xe]  }
0x4f: {  	[tilespmem:s10], [sflag:$0x1] =	stream.indirect_vreg.gather [hbm4b:s3+s2], $0x80, v3, vm0, $0xb8;
	[tilespmem:$0x18080] =	vst v63  }
0x50: {  	s0 =	rddreg [dreg:$0xf]  }
0x51: {  	[tilespmem:s0], [sflag:$0x1] =	stream.indirect_vreg.gather [hbm4b:s4+s2], $0x80, v3, vm0, $0xb8;
	[tilespmem:$0x18080] =	vst v63  }
0x52: {  	s10 =	rddreg [dreg:$0x10]  }
0x53: {  	[tilespmem:s10], [sflag:$0x1] =	stream.indirect_vreg.gather [hbm4b:s5+s2], $0x80, v3, vm0, $0xb8;
	[tilespmem:$0x18080] =	vst v63  }
0x54: {  	v3 =	vld [tilespmem:$0x20];
	_ =	sdelay $0x4  }
0x55: {  	v58 =	vshrl.u32 v3, $0x3  }
0x56: {  	v4 =	vmul.u32 $0x30, v58  }
0x57: {  	v3 =	vand.u32 $0x7, v3  }
0x58: {  	v3 =	vor.u32 v3, v4  }
0x59: {  	v4 =	vperm.xlane v3, v0;
	_ =	sdelay $0x1  }
0x5a: {  	v4 =	vadd.s32 v1, v4;
	_ =	sdelay $0x3  }
0x5b: {  	s0 =	rddreg [dreg:$0x11];
	v3 =	vperm.xlane v3, v2  }
0x5c: {  	[tilespmem:s0], [sflag:$0x1] =	stream.indirect_vreg.gather [hbm4b:s3+s2], $0x80, v4, vm0, $0xb8;
	[tilespmem:$0x18080] =	vst v63  }
0x5d: {  	s10 =	rddreg [dreg:$0x12];
	v3 =	vadd.s32 v1, v3  }
0x5e: {  	[tilespmem:s10], [sflag:$0x1] =	stream.indirect_vreg.gather [hbm4b:s4+s2], $0x80, v4, vm0, $0xb8;
	[tilespmem:$0x18080] =	vst v63  }
0x5f: {  	s0 =	rddreg [dreg:$0x13]  }
0x60: {  	[tilespmem:s0], [sflag:$0x1] =	stream.indirect_vreg.gather [hbm4b:s5+s2], $0x80, v4, vm0, $0xb8;
	[tilespmem:$0x18080] =	vst v63  }
0x61: {  	s10 =	rddreg [dreg:$0x14]  }
0x62: {  	[tilespmem:s10], [sflag:$0x1] =	stream.indirect_vreg.gather [hbm4b:s3+s2], $0x80, v3, vm0, $0xb8;
	[tilespmem:$0x18080] =	vst v63  }
0x63: {  	s0 =	rddreg [dreg:$0x15]  }
0x64: {  	[tilespmem:s0], [sflag:$0x1] =	stream.indirect_vreg.gather [hbm4b:s4+s2], $0x80, v3, vm0, $0xb8;
	[tilespmem:$0x18080] =	vst v63  }
0x65: {  	s10 =	rddreg [dreg:$0x16]  }
0x66: {  	[tilespmem:s10], [sflag:$0x1] =	stream.indirect_vreg.gather [hbm4b:s5+s2], $0x80, v3, vm0, $0xb8;
	[tilespmem:$0x18080] =	vst v63  }
0x67: {  	v3 =	vld [tilespmem:$0x30];
	_ =	sdelay $0x4  }
0x68: {  	v59 =	vshrl.u32 v3, $0x3  }
0x69: {  	v4 =	vmul.u32 $0x30, v59  }
0x6a: {  	v3 =	vand.u32 $0x7, v3  }
0x6b: {  	v3 =	vor.u32 v3, v4  }
0x6c: {  	v4 =	vperm.xlane v3, v0;
	_ =	sdelay $0x1  }
0x6d: {  	v4 =	vadd.s32 v1, v4;
	_ =	sdelay $0x3  }
0x6e: {  	s0 =	rddreg [dreg:$0x17];
	v3 =	vperm.xlane v3, v2  }
0x6f: {  	[tilespmem:s0], [sflag:$0x1] =	stream.indirect_vreg.gather [hbm4b:s3+s2], $0x80, v4, vm0, $0xb8;
	[tilespmem:$0x18080] =	vst v63  }
0x70: {  	s10 =	rddreg [dreg:$0x18];
	v3 =	vadd.s32 v1, v3  }
0x71: {  	[tilespmem:s10], [sflag:$0x1] =	stream.indirect_vreg.gather [hbm4b:s4+s2], $0x80, v4, vm0, $0xb8;
	[tilespmem:$0x18080] =	vst v63  }
0x72: {  	s0 =	rddreg [dreg:$0x19]  }
0x73: {  	[tilespmem:s0], [sflag:$0x1] =	stream.indirect_vreg.gather [hbm4b:s5+s2], $0x80, v4, vm0, $0xb8;
	[tilespmem:$0x18080] =	vst v63  }
0x74: {  	s10 =	rddreg [dreg:$0x1a]  }
0x75: {  	[tilespmem:s10], [sflag:$0x1] =	stream.indirect_vreg.gather [hbm4b:s3+s2], $0x80, v3, vm0, $0xb8;
	[tilespmem:$0x18080] =	vst v63  }
0x76: {  	s0 =	rddreg [dreg:$0x1b]  }
0x77: {  	[tilespmem:s0], [sflag:$0x1] =	stream.indirect_vreg.gather [hbm4b:s4+s2], $0x80, v3, vm0, $0xb8;
	[tilespmem:$0x18080] =	vst v63  }
0x78: {  	s10 =	rddreg [dreg:$0x1c]  }
0x79: {  	[tilespmem:s10], [sflag:$0x1] =	stream.indirect_vreg.gather [hbm4b:s5+s2], $0x80, v3, vm0, $0xb8;
	[tilespmem:$0x18080] =	vst v63  }
0x7a: {  	v3 =	vld [tilespmem:$0x40];
	_ =	sdelay $0x4  }
0x7b: {  	v60 =	vshrl.u32 v3, $0x3  }
0x7c: {  	v4 =	vmul.u32 $0x30, v60  }
0x7d: {  	v3 =	vand.u32 $0x7, v3  }
0x7e: {  	v3 =	vor.u32 v3, v4  }
0x7f: {  	v4 =	vperm.xlane v3, v0;
	_ =	sdelay $0x1  }
0x80: {  	v4 =	vadd.s32 v1, v4;
	_ =	sdelay $0x3  }
0x81: {  	s0 =	rddreg [dreg:$0x1d];
	v3 =	vperm.xlane v3, v2  }
0x82: {  	[tilespmem:s9], [sflag:$0x2] =	stream.indirect_vreg.gather [hbm4b:s3+s2], $0x80, v4, vm0, $0xb8;
	[tilespmem:$0x18080] =	vst v63  }
0x83: {  	s10 =	rddreg [dreg:$0x1e];
	v3 =	vadd.s32 v1, v3  }
0x84: {  	[tilespmem:s0], [sflag:$0x2] =	stream.indirect_vreg.gather [hbm4b:s4+s2], $0x80, v4, vm0, $0xb8;
	[tilespmem:$0x18080] =	vst v63  }
0x85: {  	s0 =	rddreg [dreg:$0x1f]  }
0x86: {  	[tilespmem:s10], [sflag:$0x2] =	stream.indirect_vreg.gather [hbm4b:s5+s2], $0x80, v4, vm0, $0xb8;
	[tilespmem:$0x18080] =	vst v63  }
0x87: {  	s10 =	sld [smem:$0x7FC]  }
0x88: {  	[tilespmem:s0], [sflag:$0x2] =	stream.indirect_vreg.gather [hbm4b:s3+s2], $0x80, v3, vm0, $0xb8;
	[tilespmem:$0x18080] =	vst v63  }
0x89: {  	s0 =	sld [smem:$0x7FD]  }
0x8a: {  	[tilespmem:s10], [sflag:$0x2] =	stream.indirect_vreg.gather [hbm4b:s4+s2], $0x80, v3, vm0, $0xb8;
	[tilespmem:$0x18080] =	vst v63  }
0x8b: {  	_ = 	snop  }
0x8c: {  	[tilespmem:s0], [sflag:$0x2] =	stream.indirect_vreg.gather [hbm4b:s5+s2], $0x80, v3, vm0, $0xb8;
	[tilespmem:$0x18080] =	vst v63  }
0x8d: {  	v3 =	vld [tilespmem:$0x50];
	_ =	sdelay $0x4  }
0x8e: {  	v61 =	vshrl.u32 v3, $0x3  }
0x8f: {  	v4 =	vmul.u32 $0x30, v61  }
0x90: {  	v3 =	vand.u32 $0x7, v3  }
0x91: {  	v3 =	vor.u32 v3, v4  }
0x92: {  	v4 =	vperm.xlane v3, v0;
	_ =	sdelay $0x1  }
0x93: {  	v4 =	vadd.s32 v1, v4;
	_ =	sdelay $0x3  }
0x94: {  	s10 =	simm.s32 $0xF080;
	v3 =	vperm.xlane v3, v2  }
0x95: {  	[tilespmem:s10], [sflag:$0x2] =	stream.indirect_vreg.gather [hbm4b:s3+s2], $0x80, v4, vm0, $0xb8;
	[tilespmem:$0x18080] =	vst v63  }
0x96: {  	v3 =	vadd.s32 v1, v3  }
0x97: {  	[tilespmem:s11], [sflag:$0x2] =	stream.indirect_vreg.gather [hbm4b:s4+s2], $0x80, v4, vm0, $0xb8;
	[tilespmem:$0x18080] =	vst v63  }
0x98: {  	_ = 	snop  }
0x99: {  	[tilespmem:s12], [sflag:$0x2] =	stream.indirect_vreg.gather [hbm4b:s5+s2], $0x80, v4, vm0, $0xb8;
	[tilespmem:$0x18080] =	vst v63  }
0x9a: {  	_ = 	snop  }
0x9b: {  	[tilespmem:s13], [sflag:$0x2] =	stream.indirect_vreg.gather [hbm4b:s3+s2], $0x80, v3, vm0, $0xb8;
	[tilespmem:$0x18080] =	vst v63  }
0x9c: {  	_ = 	snop  }
0x9d: {  	[tilespmem:s14], [sflag:$0x2] =	stream.indirect_vreg.gather [hbm4b:s4+s2], $0x80, v3, vm0, $0xb8;
	[tilespmem:$0x18080] =	vst v63  }
0x9e: {  	_ = 	snop  }
0x9f: {  	[tilespmem:s15], [sflag:$0x2] =	stream.indirect_vreg.gather [hbm4b:s5+s2], $0x80, v3, vm0, $0xb8;
	[tilespmem:$0x18080] =	vst v63  }
0xa0: {  	v3 =	vld [tilespmem:$0x60];
	_ =	sdelay $0x4  }
0xa1: {  	v62 =	vshrl.u32 v3, $0x3  }
0xa2: {  	v4 =	vmul.u32 $0x30, v62  }
0xa3: {  	v3 =	vand.u32 $0x7, v3  }
0xa4: {  	v3 =	vor.u32 v3, v4  }
0xa5: {  	v4 =	vperm.xlane v3, v0;
	_ =	sdelay $0x1  }
0xa6: {  	v4 =	vadd.s32 v1, v4;
	_ =	sdelay $0x3  }
0xa7: {  	v3 =	vperm.xlane v3, v2  }
0xa8: {  	[tilespmem:s16], [sflag:$0x2] =	stream.indirect_vreg.gather [hbm4b:s3+s2], $0x80, v4, vm0, $0xb8;
	[tilespmem:$0x18080] =	vst v63  }
0xa9: {  	v3 =	vadd.s32 v1, v3  }
0xaa: {  	[tilespmem:s17], [sflag:$0x2] =	stream.indirect_vreg.gather [hbm4b:s4+s2], $0x80, v4, vm0, $0xb8;
	[tilespmem:$0x18080] =	vst v63  }
0xab: {  	_ = 	snop  }
0xac: {  	[tilespmem:s18], [sflag:$0x2] =	stream.indirect_vreg.gather [hbm4b:s5+s2], $0x80, v4, vm0, $0xb8;
	[tilespmem:$0x18080] =	vst v63  }
0xad: {  	_ = 	snop  }
0xae: {  	[tilespmem:s19], [sflag:$0x2] =	stream.indirect_vreg.gather [hbm4b:s3+s2], $0x80, v3, vm0, $0xb8;
	[tilespmem:$0x18080] =	vst v63  }
0xaf: {  	_ = 	snop  }
0xb0: {  	[tilespmem:s20], [sflag:$0x2] =	stream.indirect_vreg.gather [hbm4b:s4+s2], $0x80, v3, vm0, $0xb8;
	[tilespmem:$0x18080] =	vst v63  }
0xb1: {  	_ = 	snop  }
0xb2: {  	[tilespmem:s21], [sflag:$0x2] =	stream.indirect_vreg.gather [hbm4b:s5+s2], $0x80, v3, vm0, $0xb8;
	[tilespmem:$0x18080] =	vst v63  }
0xb3: {  	v3 =	vld [tilespmem:$0x70];
	_ =	sdelay $0x4  }
0xb4: {  	v63 =	vshrl.u32 v3, $0x3  }
0xb5: {  	v4 =	vmul.u32 $0x30, v63  }
0xb6: {  	v3 =	vand.u32 $0x7, v3  }
0xb7: {  	v3 =	vor.u32 v3, v4  }
0xb8: {  	v4 =	vperm.xlane v3, v0;
	_ =	sdelay $0x1  }
0xb9: {  	v4 =	vadd.s32 v1, v4;
	_ =	sdelay $0x3  }
0xba: {  	v3 =	vperm.xlane v3, v2  }
0xbb: {  	[tilespmem:s22], [sflag:$0x2] =	stream.indirect_vreg.gather [hbm4b:s3+s2], $0x80, v4, vm0, $0xb8;
	[tilespmem:$0x18080] =	vst v63  }
0xbc: {  	v3 =	vadd.s32 v1, v3  }
0xbd: {  	[tilespmem:s23], [sflag:$0x2] =	stream.indirect_vreg.gather [hbm4b:s4+s2], $0x80, v4, vm0, $0xb8;
	[tilespmem:$0x18080] =	vst v63  }
0xbe: {  	_ = 	snop  }
0xbf: {  	[tilespmem:s24], [sflag:$0x2] =	stream.indirect_vreg.gather [hbm4b:s5+s2], $0x80, v4, vm0, $0xb8;
	[tilespmem:$0x18080] =	vst v63  }
0xc0: {  	_ = 	snop  }
0xc1: {  	[tilespmem:s25], [sflag:$0x2] =	stream.indirect_vreg.gather [hbm4b:s3+s2], $0x80, v3, vm0, $0xb8;
	[tilespmem:$0x18080] =	vst v63  }
0xc2: {  	_ = 	snop  }
0xc3: {  	[tilespmem:s26], [sflag:$0x2] =	stream.indirect_vreg.gather [hbm4b:s4+s2], $0x80, v3, vm0, $0xb8;
	[tilespmem:$0x18080] =	vst v63  }
0xc4: {  	_ = 	snop  }
0xc5: {  	[tilespmem:s28], [sflag:$0x2] =	stream.indirect_vreg.gather [hbm4b:s5+s2], $0x80, v3, vm0, $0xb8;
	[tilespmem:$0x18080] =	vst v63  }
0xc6: {  	_ =	swait.ge [sflag:s29], $0xC000  }
0xc7: {  	[sflag:s29] =	ssyncset.done $0x0  }
0xc8: {  	s10 =	rddreg [dreg:$0x4];
	[sflag:s29] =	ssyncadd.s32 $0xFFFF4000  }
0xc9: {  	[hbm4b:s10+s2] =	stream.linear.scatter [tilespmem:s8], [sflag:$0x3], $0xC000, $0x38;
	[tilespmem:$0x18080] =	vst v63  }
0xca: {  	_ =	swait.ge [sflag:s30], $0xC000  }
0xcb: {  	[sflag:s30] =	ssyncset.done $0x0  }
0xcc: {  	s10 =	rddreg [dreg:$0x5];
	[sflag:s30] =	ssyncadd.s32 $0xFFFF4000  }
0xcd: {  	[hbm4b:s10+s2] =	stream.linear.scatter [tilespmem:s9], [sflag:$0x4], $0xC000, $0x38;
	[tilespmem:$0x18080] =	vst v63  }
0xce: {  	p0 =	sne.s32 s6, $0x1;
	_ =	swait.ge [sflag:s31], $0xC000  }
.Ltmp0:
0xcf: {  	[sflag:s31] =	ssyncset.done $0x0;
	(pc) =	sbr.rel @p0 .LBB2_1-.Ltmp0, $4  }
0xd0: {  	[sflag:s31] =	ssyncadd.s32 $0xFFFF4000  }
0xd1: {  	_ =	swait.ge [sflag:s1], $0xC000  }
0xd2: {  	[sflag:s1] =	ssyncset.done $0x0  }
0xd3: {  	s6 =	sadd.s32 $0xFFFFFFFF, s6;
	[sflag:s1] =	ssyncadd.s32 $0xFFFF4000  }
0xd4: {  	_ =	sfence.sel $0x180000  }
0xd5: {  	[bflag:$0x0] =	sbarrier.arrive $0xFFFF  }
0xd6: {  	_ =	strace $0x90000047  }
0xd7: {  	s0 =	stileid.u32;
	[bflag:$0x2] =	sbarrier.arrive $0xFFFF  }
0xd8: {  	p0 =	sne.s32 s0, $0x0;
	s0 =	rddreg [dreg:$0x2]  }
0xd9: {  	s0 =	sadd.s32 @!p0 $0x100000, s0  }
0xda: {  	[sflag:s0] =	ssyncadd.tile.s32 @!p0 $0x1;
	_ =	shalt  }
.Lfunc_end2:
_tile_overlayer_lowered:
.L_overlay_start_2:
0xdb: {  	(tag) =	ssettag $0x2  }
0xdc: {  	s0 =	rddreg [dreg:$0x0];
	s2 =	stileid.u32  }
0xdd: {  	s1 =	rddreg [dreg:$0x1];
	p0 =	sne.s32 s2, $0x0  }
0xde: {  	s3 =	rddreg [dreg:$0x2];
	[bflag:$0x3] =	sbarrier.arrive $0xFFFF;
	s2 =	simm.s32 @!p0 $0x1C05  }
0xdf: {  	[timem:s3], [sflag:s2] =	dma.local @!p0 [hbm:s0], s1  }
0xe0: {  	s0 =	simm.s32 @!p0 $0x5  }
0xe1: {  	_ =	swait.ge @!p0 [sflag:s0], s1  }
0xe2: {  	s1 =	ssub.s32 @!p0 $0x0, s1;
	[sflag:s0] =	ssyncset.done @!p0 $0x0  }
0xe3: {  	[sflag:s0] =	ssyncadd.s32 @!p0 s1  }
0xe4: {  	[bflag:$0x3] =	sbarrier.arrive $0xFFFF  }
0xe5: {  	_ =	shalt  }

</sc_bundles>
